<compile_context>
chip_gen: v7x
topology: tpu7x:2x2x1
jax: 0.10.2.dev20260603
libtpu: 0.0.44.dev20260713+nightly
codegen_flags: <defaults>
</compile_context>

<pallas_src>
import functools
import math

import jax
import jax.numpy as jnp
from jax import lax
from jax.experimental import pallas as pl
from jax.experimental.pallas import tpu as pltpu
from jax.experimental.pallas import tpu_sc as plsc

OUT_X = OUT_Y = OUT_Z = 12
NVOX = OUT_X * OUT_Y * OUT_Z
CAP = 63
N_ROIS = 128
N_PTS = 16384
C = 16
L = 16
NW = 32
ROIS_PER_W = N_ROIS // NW
N_CHUNKS = N_PTS // L
GCHUNK = 128
LIST_LEN = N_PTS + 2 * GCHUNK
NPRM = 16


def _sc_body(xs_hbm, ys_hbm, zs_hbm, prm_hbm, feat_hbm, out_hbm,
             xs_v, ys_v, zs_v, prm_v, grid_v, cnt_v, vox_v, pid_v,
             rows_v, sem):
    cid = lax.axis_index("c")
    sid = lax.axis_index("s")
    wid = sid * 2 + cid

    pltpu.sync_copy(xs_hbm, xs_v)
    pltpu.sync_copy(ys_hbm, ys_v)
    pltpu.sync_copy(zs_hbm, zs_v)
    pltpu.sync_copy(prm_hbm, prm_v)

    lane = lax.iota(jnp.int32, L)
    zeros_i = jnp.zeros((L,), jnp.int32)
    zeros_f = jnp.zeros((L,), jnp.float32)
    neg_inf = jnp.full((L,), -jnp.inf, jnp.float32)

    def per_roi(r, _):
        roi = wid * ROIS_PER_W + r
        pvec = prm_v[pl.ds(roi * NPRM, L)]
        cx = pvec[0]
        cy = pvec[1]
        czb = pvec[2]
        cz = pvec[3]
        hl = pvec[4]
        hw = pvec[5]
        hh = pvec[6]
        cosa = pvec[7]
        sina = pvec[8]
        xr = pvec[9]
        yr = pvec[10]
        zr = pvec[11]

        def init_grid(v, _):
            grid_v[pl.ds(v * L, L)] = neg_inf
            return 0
        lax.fori_loop(0, NVOX, init_grid, 0)

        def init_cnt(k, _):
            cnt_v[pl.ds(k * L, L)] = zeros_i
            return 0
        lax.fori_loop(0, NVOX // L + 1, init_cnt, 0)

        def chunk(i, off):
            base = i * L
            px = xs_v[pl.ds(base, L)]
            py = ys_v[pl.ds(base, L)]
            pz = zs_v[pl.ds(base, L)]
            dx = px - cx
            dy = py - cy
            local_x = dx * cosa + dy * (-sina)
            local_y = dx * sina + dy * cosa
            local_z = pz - czb
            inside = ((jnp.abs(pz - cz) <= hh)
                      & (local_x > -hl) & (local_x < hl)
                      & (local_y > -hw) & (local_y < hw))
            x_idx = jnp.clip(((local_x + hl) / xr).astype(jnp.int32),
                             0, OUT_X - 1)
            y_idx = jnp.clip(((local_y + hw) / yr).astype(jnp.int32),
                             0, OUT_Y - 1)
            z_idx = jnp.clip((local_z / zr).astype(jnp.int32),
                             0, OUT_Z - 1)
            vox = (x_idx * OUT_Y + y_idx) * OUT_Z + z_idx
            pid = base + lane
            m_i = inside.astype(jnp.int32)
            inc = plsc.cumsum(m_i)
            dst = off + (inc - m_i)
            plsc.store_scatter(vox_v, [dst], vox, mask=inside)
            plsc.store_scatter(pid_v, [dst], pid, mask=inside)
            return off + inc[L - 1]
        n = lax.fori_loop(0, N_CHUNKS, chunk, jnp.int32(0))

        def padz(k, _):
            pid_v[pl.ds(n + k * L, L)] = zeros_i
            return 0
        lax.fori_loop(0, GCHUNK // L, padz, 0)

        nch = (n + (GCHUNK - 1)) // GCHUNK

        def bchunk(ci, _):
            gbase = ci * GCHUNK
            pltpu.async_copy(
                feat_hbm.at[pid_v.at[pl.ds(gbase, GCHUNK)]], rows_v, sem
            ).wait()
            m = jnp.minimum(GCHUNK, n - gbase)

            def scat(j, _):
                v = vox_v[pl.ds(gbase + j, L)][0]
                cvec = cnt_v[pl.ds(v, L)]
                c0 = cvec[0]
                g = grid_v[pl.ds(v * L, L)]
                frow = rows_v[j]
                take = c0 < CAP
                grid_v[pl.ds(v * L, L)] = jnp.where(
                    take, jnp.maximum(g, frow), g)
                cnt_v[pl.ds(v, L)] = jnp.where(
                    take & (lane == 0), cvec + 1, cvec)
                return 0
            lax.fori_loop(0, m, scat, 0)
            return 0
        lax.fori_loop(0, nch, bchunk, 0)

        def fix(v, _):
            g = grid_v[pl.ds(v * L, L)]
            grid_v[pl.ds(v * L, L)] = jnp.where(g == neg_inf, zeros_f, g)
            return 0
        lax.fori_loop(0, NVOX, fix, 0)

        pltpu.sync_copy(grid_v, out_hbm.at[roi])
        return 0

    lax.fori_loop(0, ROIS_PER_W, per_roi, 0)


_mesh = plsc.VectorSubcoreMesh(core_axis_name="c", subcore_axis_name="s")

_pooled_call = functools.partial(
    pl.kernel,
    out_type=jax.ShapeDtypeStruct((N_ROIS, NVOX * C), jnp.float32),
    mesh=_mesh,
    compiler_params=pltpu.CompilerParams(needs_layout_passes=False, use_tc_tiling_on_sc=False),
    scratch_types=[
        pltpu.VMEM((N_PTS,), jnp.float32),
        pltpu.VMEM((N_PTS,), jnp.float32),
        pltpu.VMEM((N_PTS,), jnp.float32),
        pltpu.VMEM((N_ROIS * NPRM,), jnp.float32),
        pltpu.VMEM((NVOX * C,), jnp.float32),
        pltpu.VMEM((NVOX + L,), jnp.int32),
        pltpu.VMEM((LIST_LEN,), jnp.int32),
        pltpu.VMEM((LIST_LEN,), jnp.int32),
        pltpu.VMEM((GCHUNK, C), jnp.float32),
        pltpu.SemaphoreType.DMA,
    ],
)(_sc_body)


def kernel(rois, pts, pts_feature):
    cx = rois[:, 0]
    cy = rois[:, 1]
    czb = rois[:, 2]
    w = rois[:, 3]
    l = rois[:, 4]
    h = rois[:, 5]
    rz = rois[:, 6]
    cz = czb + h * 0.5
    rot = rz + jnp.pi * 0.5
    zpad = jnp.zeros_like(cx)
    prm = jnp.stack(
        [cx, cy, czb, cz, l * 0.5, w * 0.5, h * 0.5,
         jnp.cos(rot), jnp.sin(rot),
         l / OUT_X, w / OUT_Y, h / OUT_Z,
         zpad, zpad, zpad, zpad],
        axis=1,
    ).reshape(-1).astype(jnp.float32)
    xs = jnp.asarray(pts[:, 0], jnp.float32)
    ys = jnp.asarray(pts[:, 1], jnp.float32)
    zs = jnp.asarray(pts[:, 2], jnp.float32)
    out = _pooled_call(xs, ys, zs, prm, pts_feature)
    return out.reshape(N_ROIS, OUT_X, OUT_Y, OUT_Z, C)

# --- scband reference (transcript-rebuilt; emitter-appended) ---
"""Pipeline reference for scband-ro-iaware-pool3d-77060303225122 (READ-ONLY COPY).

The authoritative reference and input builder live on the scoring server;
editing this copy changes nothing except your own understanding.
"""

import jax, jax.numpy as jnp
import numpy as np
import math

OUT_X, OUT_Y, OUT_Z = 12, 12, 12
MAX_PTS_PER_VOXEL = 64
NUM_ROIS, NPOINTS, C = 128, 16384, 16


def setup_inputs(seed: int = 0) -> dict:
    key = jax.random.key(seed)
    k1, k2, k3, k4, k5, k6, k7, k8 = jax.random.split(key, 8)
    pts_xy = jax.random.uniform(k1, (NPOINTS, 2), minval=-10.0, maxval=10.0)
    pts_z = jax.random.uniform(k2, (NPOINTS, 1), minval=-2.0, maxval=2.0)
    pts = jnp.concatenate([pts_xy, pts_z], axis=1).astype(jnp.float32)
    centers_xy = jax.random.uniform(k3, (NUM_ROIS, 2), minval=-8.0, maxval=8.0)
    cz_bottom = jax.random.uniform(k4, (NUM_ROIS, 1), minval=-2.0, maxval=0.0)
    wl = jax.random.uniform(k5, (NUM_ROIS, 2), minval=2.0, maxval=6.0)
    h = jax.random.uniform(k6, (NUM_ROIS, 1), minval=1.0, maxval=3.0)
    rz = jax.random.uniform(k7, (NUM_ROIS, 1), minval=-math.pi, maxval=math.pi)
    rois = jnp.concatenate([centers_xy, cz_bottom, wl, h, rz], axis=1).astype(jnp.float32)
    pts_feature = jax.random.normal(k8, (NPOINTS, C), dtype=jnp.float32)
    return {"rois": rois, "pts": pts, "pts_feature": pts_feature}


def reference(rois, pts, pts_feature):
    num_rois = rois.shape[0]
    npoints = pts.shape[0]
    c = pts_feature.shape[1]
    cx = rois[:, 0][:, None]
    cy = rois[:, 1][:, None]
    czb = rois[:, 2][:, None]
    w = rois[:, 3][:, None]
    l = rois[:, 4][:, None]
    h = rois[:, 5][:, None]
    rz = rois[:, 6][:, None]
    cz = czb + h * 0.5
    dx = pts[None, :, 0] - cx
    dy = pts[None, :, 1] - cy
    pz = pts[None, :, 2] * jnp.ones((num_rois, 1), dtype=pts.dtype)
    rot = rz + jnp.pi * 0.5
    cosa = jnp.cos(rot)
    sina = jnp.sin(rot)
    local_x = dx * cosa + dy * (-sina)
    local_y = dx * sina + dy * cosa
    local_z = pz - czb
    inside = (jnp.abs(pz - cz) <= h * 0.5) & (local_x > -l * 0.5) & (local_x < l * 0.5) & (local_y > -w * 0.5) & (local_y < w * 0.5)
    x_res = l / OUT_X
    y_res = w / OUT_Y
    z_res = h / OUT_Z
    x_idx = jnp.clip(((local_x + l * 0.5) / x_res).astype(jnp.int32), 0, OUT_X - 1)
    y_idx = jnp.clip(((local_y + w * 0.5) / y_res).astype(jnp.int32), 0, OUT_Y - 1)
    z_idx = jnp.clip((local_z / z_res).astype(jnp.int32), 0, OUT_Z - 1)
    V = OUT_X * OUT_Y * OUT_Z
    voxel_lin = (x_idx * OUT_Y + y_idx) * OUT_Z + z_idx
    roi_ids = jnp.arange(num_rois, dtype=jnp.int32)[:, None]
    sentinel = num_rois * V
    vid = jnp.where(inside, roi_ids * V + voxel_lin, sentinel)
    vid_flat = vid.reshape(-1)
    order = jnp.argsort(vid_flat)  # stable in jax
    vid_sorted = vid_flat[order]
    n = vid_flat.shape[0]
    pos = jnp.arange(n, dtype=jnp.int32)
    is_start = jnp.concatenate([jnp.array([True]), vid_sorted[1:] != vid_sorted[:-1]])
    start_pos = jnp.where(is_start, pos, 0)
    run_start = jax.lax.associative_scan(jnp.maximum, start_pos)
    rank = pos - run_start
    keep = (vid_sorted < sentinel) & (rank < MAX_PTS_PER_VOXEL - 1)
    pt_idx_sorted = (order % npoints).astype(jnp.int32)
    seg_ids = jnp.where(keep, vid_sorted, sentinel)
    feats = pts_feature[pt_idx_sorted]
    num_seg = sentinel + 1
    pooled = jax.ops.segment_max(feats, seg_ids, num_segments=num_seg)
    counts = jax.ops.segment_sum(jnp.where(keep, 1, 0), seg_ids, num_segments=num_seg)
    pooled = jnp.where((counts > 0)[:, None], pooled, 0.0)
    pooled = pooled[:sentinel].reshape(num_rois, OUT_X, OUT_Y, OUT_Z, c)
    return pooled

if __name__ == "__main__":
    import jax
    _d = setup_inputs()
    print(jax.jit(kernel)(*tuple(_d.values())))

</pallas_src>

<mosaic_0001>
#map = affine_map<(d0, d1) -> (0)>
#map1 = affine_map<(d0, d1) -> (0, 0)>
module attributes {stable_mosaic.version = 14 : i64} {
  func.func @_sc_body(%arg0: i32, %arg1: i32, %arg2: memref<16384xf32, #tpu.memory_space<hbm>>, %arg3: memref<16384xf32, #tpu.memory_space<hbm>>, %arg4: memref<16384xf32, #tpu.memory_space<hbm>>, %arg5: memref<2048xf32, #tpu.memory_space<hbm>>, %arg6: memref<16384x16xf32, #tpu.memory_space<hbm>>, %arg7: memref<128x27648xf32, #tpu.memory_space<hbm>>, %arg8: memref<16384xf32, #tpu.memory_space<vmem>>, %arg9: memref<16384xf32, #tpu.memory_space<vmem>>, %arg10: memref<16384xf32, #tpu.memory_space<vmem>>, %arg11: memref<2048xf32, #tpu.memory_space<vmem>>, %arg12: memref<27648xf32, #tpu.memory_space<vmem>>, %arg13: memref<1744xi32, #tpu.memory_space<vmem>>, %arg14: memref<16640xi32, #tpu.memory_space<vmem>>, %arg15: memref<16640xi32, #tpu.memory_space<vmem>>, %arg16: memref<128x16xf32, #tpu.memory_space<vmem>>, %arg17: memref<!tpu.dma_semaphore, #tpu.memory_space<semaphore_mem>>) attributes {dimension_semantics = [#tpu.dimension_semantics<core_parallel>, #tpu.dimension_semantics<subcore_parallel>], iteration_bounds = array<i64: 2, 16>, scalar_prefetch = 0 : i64, scratch_operands = 10 : i64, tpu.core_type = #tpu.core_type<sc_vector_subcore>, window_params = [{transform_indices = #map}, {transform_indices = #map}, {transform_indices = #map}, {transform_indices = #map}, {transform_indices = #map1}, {transform_indices = #map1}]} {
    %mul3A = arith.constant 2 : i32
    %mul3A_0 = arith.muli %arg1, %mul3A : i32
    %add3A = arith.addi %mul3A_0, %arg0 : i32
    "tpu.region"() ({
      %run_scoped3A = tpu.sem_alloc : memref<!tpu.dma_semaphore, #tpu.memory_space<semaphore_mem>>
      tpu.enqueue_dma source(%arg2 : memref<16384xf32, #tpu.memory_space<hbm>>) target(%arg8 : memref<16384xf32, #tpu.memory_space<vmem>>) target_semaphore(%run_scoped3A : memref<!tpu.dma_semaphore, #tpu.memory_space<semaphore_mem>>)
      tpu.wait_dma2 semaphore(%run_scoped3A : memref<!tpu.dma_semaphore, #tpu.memory_space<semaphore_mem>>) src(%arg2 : memref<16384xf32, #tpu.memory_space<hbm>>) dst(%arg8 : memref<16384xf32, #tpu.memory_space<vmem>>)
      tpu.yield
    }) : () -> ()
    "tpu.region"() ({
      %run_scoped3A = tpu.sem_alloc : memref<!tpu.dma_semaphore, #tpu.memory_space<semaphore_mem>>
      tpu.enqueue_dma source(%arg3 : memref<16384xf32, #tpu.memory_space<hbm>>) target(%arg9 : memref<16384xf32, #tpu.memory_space<vmem>>) target_semaphore(%run_scoped3A : memref<!tpu.dma_semaphore, #tpu.memory_space<semaphore_mem>>)
      tpu.wait_dma2 semaphore(%run_scoped3A : memref<!tpu.dma_semaphore, #tpu.memory_space<semaphore_mem>>) src(%arg3 : memref<16384xf32, #tpu.memory_space<hbm>>) dst(%arg9 : memref<16384xf32, #tpu.memory_space<vmem>>)
      tpu.yield
    }) : () -> ()
    "tpu.region"() ({
      %run_scoped3A = tpu.sem_alloc : memref<!tpu.dma_semaphore, #tpu.memory_space<semaphore_mem>>
      tpu.enqueue_dma source(%arg4 : memref<16384xf32, #tpu.memory_space<hbm>>) target(%arg10 : memref<16384xf32, #tpu.memory_space<vmem>>) target_semaphore(%run_scoped3A : memref<!tpu.dma_semaphore, #tpu.memory_space<semaphore_mem>>)
      tpu.wait_dma2 semaphore(%run_scoped3A : memref<!tpu.dma_semaphore, #tpu.memory_space<semaphore_mem>>) src(%arg4 : memref<16384xf32, #tpu.memory_space<hbm>>) dst(%arg10 : memref<16384xf32, #tpu.memory_space<vmem>>)
      tpu.yield
    }) : () -> ()
    "tpu.region"() ({
      %run_scoped3A = tpu.sem_alloc : memref<!tpu.dma_semaphore, #tpu.memory_space<semaphore_mem>>
      tpu.enqueue_dma source(%arg5 : memref<2048xf32, #tpu.memory_space<hbm>>) target(%arg11 : memref<2048xf32, #tpu.memory_space<vmem>>) target_semaphore(%run_scoped3A : memref<!tpu.dma_semaphore, #tpu.memory_space<semaphore_mem>>)
      tpu.wait_dma2 semaphore(%run_scoped3A : memref<!tpu.dma_semaphore, #tpu.memory_space<semaphore_mem>>) src(%arg5 : memref<2048xf32, #tpu.memory_space<hbm>>) dst(%arg11 : memref<2048xf32, #tpu.memory_space<vmem>>)
      tpu.yield
    }) : () -> ()
    %iota3A = tpu.iota {dimensions = array<i32: 0>} : vector<16xi32>
    %broadcast_in_dim3A = arith.constant 0 : i32
    %broadcast_in_dim3A_1 = vector.broadcast %broadcast_in_dim3A : i32 to vector<16xi32>
    %broadcast_in_dim3A_2 = arith.constant 0.000000e+00 : f32
    %broadcast_in_dim3A_3 = vector.broadcast %broadcast_in_dim3A_2 : f32 to vector<16xf32>
    %broadcast_in_dim3A_4 = arith.constant 0xFF800000 : f32
    %broadcast_in_dim3A_5 = vector.broadcast %broadcast_in_dim3A_4 : f32 to vector<16xf32>
    %scan3A = arith.constant 0 : i32
    %scan3A_6 = arith.constant 0 : i32
    %scan3A_7 = arith.constant 4 : i32
    %scan3A_8 = arith.addi %scan3A_6, %scan3A_7 : i32
    %scan3A_9 = arith.constant 1 : i32
    %scan3A_10 = scf.for %scan3A_12 = %scan3A_6 to %scan3A_8 step %scan3A_9 iter_args(%scan3A_13 = %scan3A) -> (i32)  : i32 {
      %mul3A_14 = arith.constant 4 : i32
      %mul3A_15 = arith.muli %add3A, %mul3A_14 : i32
      %add3A_16 = arith.addi %mul3A_15, %scan3A_12 : i32
      %mul3A_17 = arith.constant 16 : i32
      %mul3A_18 = arith.muli %add3A_16, %mul3A_17 : i32
      %get3A = arith.index_cast %mul3A_18 : i32 to index
      %get3A_19 = tpu.vector_load %arg11[%get3A] {strides = array<i32>} : memref<2048xf32, #tpu.memory_space<vmem>>, vector<16xf32>,
      %slice3A = vector.extract_strided_slice %get3A_19 {offsets = [0], sizes = [1], strides = [1]} : vector<16xf32> to vector<1xf32>
      %squeeze3A = vector.extract %slice3A[0] : f32 from vector<1xf32>
      %slice3A_20 = vector.extract_strided_slice %get3A_19 {offsets = [1], sizes = [1], strides = [1]} : vector<16xf32> to vector<1xf32>
      %squeeze3A_21 = vector.extract %slice3A_20[0] : f32 from vector<1xf32>
      %slice3A_22 = vector.extract_strided_slice %get3A_19 {offsets = [2], sizes = [1], strides = [1]} : vector<16xf32> to vector<1xf32>
      %squeeze3A_23 = vector.extract %slice3A_22[0] : f32 from vector<1xf32>
      %slice3A_24 = vector.extract_strided_slice %get3A_19 {offsets = [3], sizes = [1], strides = [1]} : vector<16xf32> to vector<1xf32>
      %squeeze3A_25 = vector.extract %slice3A_24[0] : f32 from vector<1xf32>
      %slice3A_26 = vector.extract_strided_slice %get3A_19 {offsets = [4], sizes = [1], strides = [1]} : vector<16xf32> to vector<1xf32>
      %squeeze3A_27 = vector.extract %slice3A_26[0] : f32 from vector<1xf32>
      %slice3A_28 = vector.extract_strided_slice %get3A_19 {offsets = [5], sizes = [1], strides = [1]} : vector<16xf32> to vector<1xf32>
      %squeeze3A_29 = vector.extract %slice3A_28[0] : f32 from vector<1xf32>
      %slice3A_30 = vector.extract_strided_slice %get3A_19 {offsets = [6], sizes = [1], strides = [1]} : vector<16xf32> to vector<1xf32>
      %squeeze3A_31 = vector.extract %slice3A_30[0] : f32 from vector<1xf32>
      %slice3A_32 = vector.extract_strided_slice %get3A_19 {offsets = [7], sizes = [1], strides = [1]} : vector<16xf32> to vector<1xf32>
      %squeeze3A_33 = vector.extract %slice3A_32[0] : f32 from vector<1xf32>
      %slice3A_34 = vector.extract_strided_slice %get3A_19 {offsets = [8], sizes = [1], strides = [1]} : vector<16xf32> to vector<1xf32>
      %squeeze3A_35 = vector.extract %slice3A_34[0] : f32 from vector<1xf32>
      %slice3A_36 = vector.extract_strided_slice %get3A_19 {offsets = [9], sizes = [1], strides = [1]} : vector<16xf32> to vector<1xf32>
      %squeeze3A_37 = vector.extract %slice3A_36[0] : f32 from vector<1xf32>
      %slice3A_38 = vector.extract_strided_slice %get3A_19 {offsets = [10], sizes = [1], strides = [1]} : vector<16xf32> to vector<1xf32>
      %squeeze3A_39 = vector.extract %slice3A_38[0] : f32 from vector<1xf32>
      %slice3A_40 = vector.extract_strided_slice %get3A_19 {offsets = [11], sizes = [1], strides = [1]} : vector<16xf32> to vector<1xf32>
      %squeeze3A_41 = vector.extract %slice3A_40[0] : f32 from vector<1xf32>
      %scan3A_42 = arith.constant 0 : i32
      %scan3A_43 = arith.constant 0 : i32
      %scan3A_44 = arith.constant 1728 : i32
      %scan3A_45 = arith.addi %scan3A_43, %scan3A_44 : i32
      %scan3A_46 = arith.constant 1 : i32
      %scan3A_47 = scf.for %scan3A_107 = %scan3A_43 to %scan3A_45 step %scan3A_46 iter_args(%scan3A_108 = %scan3A_42) -> (i32)  : i32 {
        %mul3A_109 = arith.constant 16 : i32
        %mul3A_110 = arith.muli %scan3A_107, %mul3A_109 : i32
        %swap3A = arith.index_cast %mul3A_110 : i32 to index
        %swap3A_111 = tpu.vector_load %arg12[%swap3A] {strides = array<i32>} : memref<27648xf32, #tpu.memory_space<vmem>>, vector<16xf32>,
        tpu.vector_store %arg12[%swap3A], %broadcast_in_dim3A_5 {strides = array<i32>} : memref<27648xf32, #tpu.memory_space<vmem>>, vector<16xf32>,
        %scan3A_112 = arith.constant 0 : i32
        scf.yield %scan3A_112 : i32
      }
      %scan3A_48 = arith.constant 1728 : i32
      %scan3A_49 = arith.constant 0 : i32
      %scan3A_50 = arith.constant 0 : i32
      %scan3A_51 = arith.constant 109 : i32
      %scan3A_52 = arith.addi %scan3A_50, %scan3A_51 : i32
      %scan3A_53 = arith.constant 1 : i32
      %scan3A_54 = scf.for %scan3A_107 = %scan3A_50 to %scan3A_52 step %scan3A_53 iter_args(%scan3A_108 = %scan3A_49) -> (i32)  : i32 {
        %mul3A_109 = arith.constant 16 : i32
        %mul3A_110 = arith.muli %scan3A_107, %mul3A_109 : i32
        %swap3A = arith.index_cast %mul3A_110 : i32 to index
        %swap3A_111 = tpu.vector_load %arg13[%swap3A] {strides = array<i32>} : memref<1744xi32, #tpu.memory_space<vmem>>, vector<16xi32>,
        tpu.vector_store %arg13[%swap3A], %broadcast_in_dim3A_1 {strides = array<i32>} : memref<1744xi32, #tpu.memory_space<vmem>>, vector<16xi32>,
        %scan3A_112 = arith.constant 0 : i32
        scf.yield %scan3A_112 : i32
      }
      %scan3A_55 = arith.constant 109 : i32
      %scan3A_56 = arith.constant 0 : i32
      %scan3A_57 = arith.constant 0 : i32
      %scan3A_58 = arith.constant 1024 : i32
      %scan3A_59 = arith.addi %scan3A_57, %scan3A_58 : i32
      %scan3A_60 = arith.constant 1 : i32
      %scan3A_61 = scf.for %scan3A_107 = %scan3A_57 to %scan3A_59 step %scan3A_60 iter_args(%scan3A_108 = %scan3A_56) -> (i32)  : i32 {
        %mul3A_109 = arith.constant 16 : i32
        %mul3A_110 = arith.muli %scan3A_107, %mul3A_109 : i32
        %get3A_111 = arith.index_cast %mul3A_110 : i32 to index
        %get3A_112 = tpu.vector_load %arg8[%get3A_111] {strides = array<i32>} : memref<16384xf32, #tpu.memory_space<vmem>>, vector<16xf32>,
        %get3A_113 = arith.index_cast %mul3A_110 : i32 to index
        %get3A_114 = tpu.vector_load %arg9[%get3A_113] {strides = array<i32>} : memref<16384xf32, #tpu.memory_space<vmem>>, vector<16xf32>,
        %get3A_115 = arith.index_cast %mul3A_110 : i32 to index
        %get3A_116 = tpu.vector_load %arg10[%get3A_115] {strides = array<i32>} : memref<16384xf32, #tpu.memory_space<vmem>>, vector<16xf32>,
        %sub3A_117 = vector.broadcast %squeeze3A : f32 to vector<16xf32>
        %sub3A_118 = arith.subf %get3A_112, %sub3A_117 : vector<16xf32>
        %sub3A_119 = vector.broadcast %squeeze3A_21 : f32 to vector<16xf32>
        %sub3A_120 = arith.subf %get3A_114, %sub3A_119 : vector<16xf32>
        %mul3A_121 = vector.broadcast %squeeze3A_33 : f32 to vector<16xf32>
        %mul3A_122 = arith.mulf %sub3A_118, %mul3A_121 : vector<16xf32>
        %neg3A = arith.constant 0.000000e+00 : f32
        %neg3A_123 = arith.subf %neg3A, %squeeze3A_35 : f32
        %mul3A_124 = vector.broadcast %neg3A_123 : f32 to vector<16xf32>
        %mul3A_125 = arith.mulf %sub3A_120, %mul3A_124 : vector<16xf32>
        %add3A_126 = arith.addf %mul3A_122, %mul3A_125 : vector<16xf32>
        %mul3A_127 = vector.broadcast %squeeze3A_35 : f32 to vector<16xf32>
        %mul3A_128 = arith.mulf %sub3A_118, %mul3A_127 : vector<16xf32>
        %mul3A_129 = vector.broadcast %squeeze3A_33 : f32 to vector<16xf32>
        %mul3A_130 = arith.mulf %sub3A_120, %mul3A_129 : vector<16xf32>
        %add3A_131 = arith.addf %mul3A_128, %mul3A_130 : vector<16xf32>
        %sub3A_132 = vector.broadcast %squeeze3A_23 : f32 to vector<16xf32>
        %sub3A_133 = arith.subf %get3A_116, %sub3A_132 : vector<16xf32>
        %sub3A_134 = vector.broadcast %squeeze3A_25 : f32 to vector<16xf32>
        %sub3A_135 = arith.subf %get3A_116, %sub3A_134 : vector<16xf32>
        %abs3A = math.absf %sub3A_135 : vector<16xf32>
        %le3A = vector.broadcast %squeeze3A_31 : f32 to vector<16xf32>
        %le3A_136 = arith.cmpf ole, %abs3A, %le3A : vector<16xf32>
        %neg3A_137 = arith.constant 0.000000e+00 : f32
        %neg3A_138 = arith.subf %neg3A_137, %squeeze3A_27 : f32
        %gt3A = vector.broadcast %neg3A_138 : f32 to vector<16xf32>
        %gt3A_139 = arith.cmpf ogt, %add3A_126, %gt3A : vector<16xf32>
        %and3A_140 = arith.andi %le3A_136, %gt3A_139 : vector<16xi1>
        %lt3A = vector.broadcast %squeeze3A_27 : f32 to vector<16xf32>
        %lt3A_141 = arith.cmpf olt, %add3A_126, %lt3A : vector<16xf32>
        %and3A_142 = arith.andi %and3A_140, %lt3A_141 : vector<16xi1>
        %neg3A_143 = arith.constant 0.000000e+00 : f32
        %neg3A_144 = arith.subf %neg3A_143, %squeeze3A_29 : f32
        %gt3A_145 = vector.broadcast %neg3A_144 : f32 to vector<16xf32>
        %gt3A_146 = arith.cmpf ogt, %add3A_131, %gt3A_145 : vector<16xf32>
        %and3A_147 = arith.andi %and3A_142, %gt3A_146 : vector<16xi1>
        %lt3A_148 = vector.broadcast %squeeze3A_29 : f32 to vector<16xf32>
        %lt3A_149 = arith.cmpf olt, %add3A_131, %lt3A_148 : vector<16xf32>
        %and3A_150 = arith.andi %and3A_147, %lt3A_149 : vector<16xi1>
        %add3A_151 = vector.broadcast %squeeze3A_27 : f32 to vector<16xf32>
        %add3A_152 = arith.addf %add3A_126, %add3A_151 : vector<16xf32>
        %div3A_153 = vector.broadcast %squeeze3A_37 : f32 to vector<16xf32>
        %div3A_154 = arith.divf %add3A_152, %div3A_153 : vector<16xf32>
        %convert_element_type3A = arith.fptosi %div3A_154 : vector<16xf32> to vector<16xi32>
        %jit3A_155 = arith.constant 0 : i32
        %jit3A_156 = arith.constant 11 : i32
        %max3A = vector.broadcast %jit3A_155 : i32 to vector<16xi32>
        %max3A_157 = arith.maxsi %max3A, %convert_element_type3A : vector<16xi32>
        %min3A = vector.broadcast %jit3A_156 : i32 to vector<16xi32>
        %min3A_158 = arith.minsi %min3A, %max3A_157 : vector<16xi32>
        %add3A_159 = vector.broadcast %squeeze3A_29 : f32 to vector<16xf32>
        %add3A_160 = arith.addf %add3A_131, %add3A_159 : vector<16xf32>
        %div3A_161 = vector.broadcast %squeeze3A_39 : f32 to vector<16xf32>
        %div3A_162 = arith.divf %add3A_160, %div3A_161 : vector<16xf32>
        %convert_element_type3A_163 = arith.fptosi %div3A_162 : vector<16xf32> to vector<16xi32>
        %jit3A_164 = arith.constant 0 : i32
        %jit3A_165 = arith.constant 11 : i32
        %max3A_166 = vector.broadcast %jit3A_164 : i32 to vector<16xi32>
        %max3A_167 = arith.maxsi %max3A_166, %convert_element_type3A_163 : vector<16xi32>
        %min3A_168 = vector.broadcast %jit3A_165 : i32 to vector<16xi32>
        %min3A_169 = arith.minsi %min3A_168, %max3A_167 : vector<16xi32>
        %div3A_170 = vector.broadcast %squeeze3A_41 : f32 to vector<16xf32>
        %div3A_171 = arith.divf %sub3A_133, %div3A_170 : vector<16xf32>
        %convert_element_type3A_172 = arith.fptosi %div3A_171 : vector<16xf32> to vector<16xi32>
        %jit3A_173 = arith.constant 0 : i32
        %jit3A_174 = arith.constant 11 : i32
        %max3A_175 = vector.broadcast %jit3A_173 : i32 to vector<16xi32>
        %max3A_176 = arith.maxsi %max3A_175, %convert_element_type3A_172 : vector<16xi32>
        %min3A_177 = vector.broadcast %jit3A_174 : i32 to vector<16xi32>
        %min3A_178 = arith.minsi %min3A_177, %max3A_176 : vector<16xi32>
        %mul3A_179 = arith.constant 12 : i32
        %mul3A_180 = vector.broadcast %mul3A_179 : i32 to vector<16xi32>
        %mul3A_181 = arith.muli %min3A_158, %mul3A_180 : vector<16xi32>
        %add3A_182 = arith.addi %mul3A_181, %min3A_169 : vector<16xi32>
        %mul3A_183 = arith.constant 12 : i32
        %mul3A_184 = vector.broadcast %mul3A_183 : i32 to vector<16xi32>
        %mul3A_185 = arith.muli %add3A_182, %mul3A_184 : vector<16xi32>
        %add3A_186 = arith.addi %mul3A_185, %min3A_178 : vector<16xi32>
        %add3A_187 = vector.broadcast %mul3A_110 : i32 to vector<16xi32>
        %add3A_188 = arith.addi %add3A_187, %iota3A : vector<16xi32>
        %convert_element_type3A_189 = arith.extui %and3A_150 : vector<16xi1> to vector<16xi32>
        %broadcast_in_dim3A_190 = arith.constant true
        %broadcast_in_dim3A_191 = vector.broadcast %broadcast_in_dim3A_190 : i1 to vector<16xi1>
        %masked_cumsum3A = tpu.scan <sum>, %convert_element_type3A_189 masked %broadcast_in_dim3A_191 : vector<16xi32>, vector<16xi1> -> vector<16xi32>
        %sub3A_192 = arith.subi %masked_cumsum3A, %convert_element_type3A_189 : vector<16xi32>
        %add3A_193 = vector.broadcast %scan3A_108 : i32 to vector<16xi32>
        %add3A_194 = arith.addi %add3A_193, %sub3A_192 : vector<16xi32>
        tpu.vector_store_idx %arg14[%add3A_194], %add3A_186 masked %and3A_150 : memref<16640xi32, #tpu.memory_space<vmem>>[vector<16xi32>], vector<16xi32>, vector<16xi1>
        tpu.vector_store_idx %arg15[%add3A_194], %add3A_188 masked %and3A_150 : memref<16640xi32, #tpu.memory_space<vmem>>[vector<16xi32>], vector<16xi32>, vector<16xi1>
        %slice3A_195 = vector.extract_strided_slice %masked_cumsum3A {offsets = [15], sizes = [1], strides = [1]} : vector<16xi32> to vector<1xi32>
        %squeeze3A_196 = vector.extract %slice3A_195[0] : i32 from vector<1xi32>
        %add3A_197 = arith.addi %scan3A_108, %squeeze3A_196 : i32
        scf.yield %add3A_197 : i32
      }
      %scan3A_62 = arith.constant 1024 : i32
      %scan3A_63 = arith.constant 0 : i32
      %scan3A_64 = arith.constant 0 : i32
      %scan3A_65 = arith.constant 8 : i32
      %scan3A_66 = arith.addi %scan3A_64, %scan3A_65 : i32
      %scan3A_67 = arith.constant 1 : i32
      %scan3A_68 = scf.for %scan3A_107 = %scan3A_64 to %scan3A_66 step %scan3A_67 iter_args(%scan3A_108 = %scan3A_63) -> (i32)  : i32 {
        %mul3A_109 = arith.constant 16 : i32
        %mul3A_110 = arith.muli %scan3A_107, %mul3A_109 : i32
        %add3A_111 = arith.addi %scan3A_61, %mul3A_110 : i32
        %swap3A = arith.index_cast %add3A_111 : i32 to index
        %swap3A_112 = tpu.vector_load %arg15[%swap3A] {strides = array<i32>} : memref<16640xi32, #tpu.memory_space<vmem>>, vector<16xi32>,
        tpu.vector_store %arg15[%swap3A], %broadcast_in_dim3A_1 {strides = array<i32>} : memref<16640xi32, #tpu.memory_space<vmem>>, vector<16xi32>,
        %scan3A_113 = arith.constant 0 : i32
        scf.yield %scan3A_113 : i32
      }
      %scan3A_69 = arith.constant 8 : i32
      %add3A_70 = arith.constant 127 : i32
      %add3A_71 = arith.addi %scan3A_61, %add3A_70 : i32
      %jit3A = arith.constant 128 : i32
      %div3A = arith.divsi %add3A_71, %jit3A : i32
      %sign3A = arith.constant 0 : i32
      %sign3A_72 = arith.cmpi sgt, %add3A_71, %sign3A : i32
      %sign3A_73 = arith.extui %sign3A_72 : i1 to i32
      %sign3A_74 = arith.constant 0 : i32
      %sign3A_75 = arith.cmpi slt, %add3A_71, %sign3A_74 : i32
      %sign3A_76 = arith.extui %sign3A_75 : i1 to i32
      %sign3A_77 = arith.subi %sign3A_73, %sign3A_76 : i32
      %sign3A_78 = arith.constant 0 : i32
      %sign3A_79 = arith.cmpi sgt, %jit3A, %sign3A_78 : i32
      %sign3A_80 = arith.extui %sign3A_79 : i1 to i32
      %sign3A_81 = arith.constant 0 : i32
      %sign3A_82 = arith.cmpi slt, %jit3A, %sign3A_81 : i32
      %sign3A_83 = arith.extui %sign3A_82 : i1 to i32
      %sign3A_84 = arith.subi %sign3A_80, %sign3A_83 : i32
      %ne3A = arith.cmpi ne, %sign3A_77, %sign3A_84 : i32
      %rem3A = arith.remsi %add3A_71, %jit3A : i32
      %ne3A_85 = arith.constant 0 : i32
      %ne3A_86 = arith.cmpi ne, %rem3A, %ne3A_85 : i32
      %and3A = arith.andi %ne3A, %ne3A_86 : i1
      %sub3A = arith.constant 1 : i32
      %sub3A_87 = arith.subi %div3A, %sub3A : i32
      %select_n3A = arith.select %and3A, %sub3A_87, %div3A : i32
      %while3A = arith.constant 0 : i32
      %while3A_88 = arith.constant 0 : i32
      %while3A_89 = arith.subi %select_n3A, %while3A : i32
      %while3A_90 = arith.addi %while3A, %while3A_89 : i32
      %while3A_91 = arith.constant 1 : i32
      %while3A_92 = arith.divsi %while3A_89, %while3A_91 : i32
      %while3A_93 = arith.muli %while3A_92, %while3A_91 : i32
      %while3A_94 = arith.addi %while3A, %while3A_93 : i32
      %while3A_95 = arith.constant 1 : i32
      %while3A_96 = scf.for %while3A_107 = %while3A to %while3A_94 step %while3A_95 iter_args(%while3A_108 = %while3A_88) -> (i32)  : i32 {
        %mul3A_109 = arith.constant 128 : i32
        %mul3A_110 = arith.muli %while3A_107, %mul3A_109 : i32
        %dma_start3A = tpu.memref_slice %arg15[%mul3A_110] : memref<16640xi32, #tpu.memory_space<vmem>> -> memref<128xi32, #tpu.memory_space<vmem>>
        %dma_start3A_111 = arith.constant 0 : i32
        %dma_start3A_112 = arith.constant 0 : i32
        %dma_start3A_113 = tpu.memref_slice %arg6[%dma_start3A_111, %dma_start3A_112] : memref<16384x16xf32, #tpu.memory_space<hbm>> -> memref<16384x16xf32, #tpu.memory_space<hbm>>
        tpu.enqueue_indirect_dma source(%dma_start3A_113 : memref<16384x16xf32, #tpu.memory_space<hbm>>) target(%arg16 : memref<128x16xf32, #tpu.memory_space<vmem>>) offsets(%dma_start3A : memref<128xi32, #tpu.memory_space<vmem>>) semaphore(%arg17 : memref<!tpu.dma_semaphore, #tpu.memory_space<semaphore_mem>>)
        %dma_wait3A = tpu.memref_slice %arg15[%mul3A_110] : memref<16640xi32, #tpu.memory_space<vmem>> -> memref<128xi32, #tpu.memory_space<vmem>>
        %dma_wait3A_114 = arith.constant 0 : i32
        %dma_wait3A_115 = arith.constant 0 : i32
        %dma_wait3A_116 = tpu.memref_slice %arg6[%dma_wait3A_114, %dma_wait3A_115] : memref<16384x16xf32, #tpu.memory_space<hbm>> -> memref<16384x16xf32, #tpu.memory_space<hbm>>
        tpu.wait_indirect_dma semaphore(%arg17 : memref<!tpu.dma_semaphore, #tpu.memory_space<semaphore_mem>>) src(%dma_wait3A_116 : memref<16384x16xf32, #tpu.memory_space<hbm>>) dst(%arg16 : memref<128x16xf32, #tpu.memory_space<vmem>>)
        %sub3A_117 = arith.subi %scan3A_61, %mul3A_110 : i32
        %min3A = arith.constant 128 : i32
        %min3A_118 = arith.minsi %min3A, %sub3A_117 : i32
        %while3A_119 = arith.constant 0 : i32
        %while3A_120 = arith.constant 0 : i32
        %while3A_121 = arith.subi %min3A_118, %while3A_119 : i32
        %while3A_122 = arith.addi %while3A_119, %while3A_121 : i32
        %while3A_123 = arith.constant 1 : i32
        %while3A_124 = arith.divsi %while3A_121, %while3A_123 : i32
        %while3A_125 = arith.muli %while3A_124, %while3A_123 : i32
        %while3A_126 = arith.addi %while3A_119, %while3A_125 : i32
        %while3A_127 = arith.constant 1 : i32
        %while3A_128 = scf.for %while3A_132 = %while3A_119 to %while3A_126 step %while3A_127 iter_args(%while3A_133 = %while3A_120) -> (i32)  : i32 {
          %add3A_134 = arith.addi %mul3A_110, %while3A_132 : i32
          %get3A_135 = arith.index_cast %add3A_134 : i32 to index
          %get3A_136 = tpu.vector_load %arg14[%get3A_135] {strides = array<i32>} : memref<16640xi32, #tpu.memory_space<vmem>>, vector<16xi32>,
          %slice3A_137 = vector.extract_strided_slice %get3A_136 {offsets = [0], sizes = [1], strides = [1]} : vector<16xi32> to vector<1xi32>
          %squeeze3A_138 = vector.extract %slice3A_137[0] : i32 from vector<1xi32>
          %get3A_139 = arith.index_cast %squeeze3A_138 : i32 to index
          %get3A_140 = tpu.vector_load %arg13[%get3A_139] {strides = array<i32>} : memref<1744xi32, #tpu.memory_space<vmem>>, vector<16xi32>,
          %slice3A_141 = vector.extract_strided_slice %get3A_140 {offsets = [0], sizes = [1], strides = [1]} : vector<16xi32> to vector<1xi32>
          %squeeze3A_142 = vector.extract %slice3A_141[0] : i32 from vector<1xi32>
          %mul3A_143 = arith.constant 16 : i32
          %mul3A_144 = arith.muli %squeeze3A_138, %mul3A_143 : i32
          %get3A_145 = arith.index_cast %mul3A_144 : i32 to index
          %get3A_146 = tpu.vector_load %arg12[%get3A_145] {strides = array<i32>} : memref<27648xf32, #tpu.memory_space<vmem>>, vector<16xf32>,
          %get3A_147 = arith.index_cast %while3A_132 : i32 to index
          %get3A_148 = arith.constant 0 : index
          %get3A_149 = tpu.vector_load %arg16[%get3A_147, %get3A_148] {strides = array<i32>} : memref<128x16xf32, #tpu.memory_space<vmem>>, vector<16xf32>,
          %lt3A = arith.constant 63 : i32
          %lt3A_150 = arith.cmpi slt, %squeeze3A_142, %lt3A : i32
          %max3A = arith.maximumf %get3A_146, %get3A_149 : vector<16xf32>
          %select_n3A_151 = arith.select %lt3A_150, %max3A, %get3A_146 : vector<16xf32>
          %mul3A_152 = arith.constant 16 : i32
          %mul3A_153 = arith.muli %squeeze3A_138, %mul3A_152 : i32
          %swap3A = arith.index_cast %mul3A_153 : i32 to index
          %swap3A_154 = tpu.vector_load %arg12[%swap3A] {strides = array<i32>} : memref<27648xf32, #tpu.memory_space<vmem>>, vector<16xf32>,
          tpu.vector_store %arg12[%swap3A], %select_n3A_151 {strides = array<i32>} : memref<27648xf32, #tpu.memory_space<vmem>>, vector<16xf32>,
          %eq3A = arith.constant 0 : i32
          %eq3A_155 = vector.broadcast %eq3A : i32 to vector<16xi32>
          %eq3A_156 = arith.cmpi eq, %iota3A, %eq3A_155 : vector<16xi32>
          %and3A_157 = vector.broadcast %lt3A_150 : i1 to vector<16xi1>
          %and3A_158 = arith.andi %and3A_157, %eq3A_156 : vector<16xi1>
          %add3A_159 = arith.constant 1 : i32
          %add3A_160 = vector.broadcast %add3A_159 : i32 to vector<16xi32>
          %add3A_161 = arith.addi %get3A_140, %add3A_160 : vector<16xi32>
          %select_n3A_162 = arith.select %and3A_158, %add3A_161, %get3A_140 : vector<16xi1>, vector<16xi32>
          %swap3A_163 = arith.index_cast %squeeze3A_138 : i32 to index
          %swap3A_164 = tpu.vector_load %arg13[%swap3A_163] {strides = array<i32>} : memref<1744xi32, #tpu.memory_space<vmem>>, vector<16xi32>,
          tpu.vector_store %arg13[%swap3A_163], %select_n3A_162 {strides = array<i32>} : memref<1744xi32, #tpu.memory_space<vmem>>, vector<16xi32>,
          %while3A_165 = arith.constant 0 : i32
          scf.yield %while3A_165 : i32
        }
        %while3A_129 = arith.constant 1 : i32
        %while3A_130 = scf.for %while3A_132 = %while3A_126 to %while3A_122 step %while3A_129 iter_args(%while3A_133 = %while3A_128) -> (i32)  : i32 {
          %add3A_134 = arith.addi %mul3A_110, %while3A_132 : i32
          %get3A_135 = arith.index_cast %add3A_134 : i32 to index
          %get3A_136 = tpu.vector_load %arg14[%get3A_135] {strides = array<i32>} : memref<16640xi32, #tpu.memory_space<vmem>>, vector<16xi32>,
          %slice3A_137 = vector.extract_strided_slice %get3A_136 {offsets = [0], sizes = [1], strides = [1]} : vector<16xi32> to vector<1xi32>
          %squeeze3A_138 = vector.extract %slice3A_137[0] : i32 from vector<1xi32>
          %get3A_139 = arith.index_cast %squeeze3A_138 : i32 to index
          %get3A_140 = tpu.vector_load %arg13[%get3A_139] {strides = array<i32>} : memref<1744xi32, #tpu.memory_space<vmem>>, vector<16xi32>,
          %slice3A_141 = vector.extract_strided_slice %get3A_140 {offsets = [0], sizes = [1], strides = [1]} : vector<16xi32> to vector<1xi32>
          %squeeze3A_142 = vector.extract %slice3A_141[0] : i32 from vector<1xi32>
          %mul3A_143 = arith.constant 16 : i32
          %mul3A_144 = arith.muli %squeeze3A_138, %mul3A_143 : i32
          %get3A_145 = arith.index_cast %mul3A_144 : i32 to index
          %get3A_146 = tpu.vector_load %arg12[%get3A_145] {strides = array<i32>} : memref<27648xf32, #tpu.memory_space<vmem>>, vector<16xf32>,
          %get3A_147 = arith.index_cast %while3A_132 : i32 to index
          %get3A_148 = arith.constant 0 : index
          %get3A_149 = tpu.vector_load %arg16[%get3A_147, %get3A_148] {strides = array<i32>} : memref<128x16xf32, #tpu.memory_space<vmem>>, vector<16xf32>,
          %lt3A = arith.constant 63 : i32
          %lt3A_150 = arith.cmpi slt, %squeeze3A_142, %lt3A : i32
          %max3A = arith.maximumf %get3A_146, %get3A_149 : vector<16xf32>
          %select_n3A_151 = arith.select %lt3A_150, %max3A, %get3A_146 : vector<16xf32>
          %mul3A_152 = arith.constant 16 : i32
          %mul3A_153 = arith.muli %squeeze3A_138, %mul3A_152 : i32
          %swap3A = arith.index_cast %mul3A_153 : i32 to index
          %swap3A_154 = tpu.vector_load %arg12[%swap3A] {strides = array<i32>} : memref<27648xf32, #tpu.memory_space<vmem>>, vector<16xf32>,
          tpu.vector_store %arg12[%swap3A], %select_n3A_151 {strides = array<i32>} : memref<27648xf32, #tpu.memory_space<vmem>>, vector<16xf32>,
          %eq3A = arith.constant 0 : i32
          %eq3A_155 = vector.broadcast %eq3A : i32 to vector<16xi32>
          %eq3A_156 = arith.cmpi eq, %iota3A, %eq3A_155 : vector<16xi32>
          %and3A_157 = vector.broadcast %lt3A_150 : i1 to vector<16xi1>
          %and3A_158 = arith.andi %and3A_157, %eq3A_156 : vector<16xi1>
          %add3A_159 = arith.constant 1 : i32
          %add3A_160 = vector.broadcast %add3A_159 : i32 to vector<16xi32>
          %add3A_161 = arith.addi %get3A_140, %add3A_160 : vector<16xi32>
          %select_n3A_162 = arith.select %and3A_158, %add3A_161, %get3A_140 : vector<16xi1>, vector<16xi32>
          %swap3A_163 = arith.index_cast %squeeze3A_138 : i32 to index
          %swap3A_164 = tpu.vector_load %arg13[%swap3A_163] {strides = array<i32>} : memref<1744xi32, #tpu.memory_space<vmem>>, vector<16xi32>,
          tpu.vector_store %arg13[%swap3A_163], %select_n3A_162 {strides = array<i32>} : memref<1744xi32, #tpu.memory_space<vmem>>, vector<16xi32>,
          %while3A_165 = arith.constant 0 : i32
          scf.yield %while3A_165 : i32
        }
        %while3A_131 = arith.constant 0 : i32
        scf.yield %while3A_131 : i32
      }
      %while3A_97 = arith.constant 1 : i32
      %while3A_98 = scf.for %while3A_107 = %while3A_94 to %while3A_90 step %while3A_97 iter_args(%while3A_108 = %while3A_96) -> (i32)  : i32 {
        %mul3A_109 = arith.constant 128 : i32
        %mul3A_110 = arith.muli %while3A_107, %mul3A_109 : i32
        %dma_start3A = tpu.memref_slice %arg15[%mul3A_110] : memref<16640xi32, #tpu.memory_space<vmem>> -> memref<128xi32, #tpu.memory_space<vmem>>
        %dma_start3A_111 = arith.constant 0 : i32
        %dma_start3A_112 = arith.constant 0 : i32
        %dma_start3A_113 = tpu.memref_slice %arg6[%dma_start3A_111, %dma_start3A_112] : memref<16384x16xf32, #tpu.memory_space<hbm>> -> memref<16384x16xf32, #tpu.memory_space<hbm>>
        tpu.enqueue_indirect_dma source(%dma_start3A_113 : memref<16384x16xf32, #tpu.memory_space<hbm>>) target(%arg16 : memref<128x16xf32, #tpu.memory_space<vmem>>) offsets(%dma_start3A : memref<128xi32, #tpu.memory_space<vmem>>) semaphore(%arg17 : memref<!tpu.dma_semaphore, #tpu.memory_space<semaphore_mem>>)
        %dma_wait3A = tpu.memref_slice %arg15[%mul3A_110] : memref<16640xi32, #tpu.memory_space<vmem>> -> memref<128xi32, #tpu.memory_space<vmem>>
        %dma_wait3A_114 = arith.constant 0 : i32
        %dma_wait3A_115 = arith.constant 0 : i32
        %dma_wait3A_116 = tpu.memref_slice %arg6[%dma_wait3A_114, %dma_wait3A_115] : memref<16384x16xf32, #tpu.memory_space<hbm>> -> memref<16384x16xf32, #tpu.memory_space<hbm>>
        tpu.wait_indirect_dma semaphore(%arg17 : memref<!tpu.dma_semaphore, #tpu.memory_space<semaphore_mem>>) src(%dma_wait3A_116 : memref<16384x16xf32, #tpu.memory_space<hbm>>) dst(%arg16 : memref<128x16xf32, #tpu.memory_space<vmem>>)
        %sub3A_117 = arith.subi %scan3A_61, %mul3A_110 : i32
        %min3A = arith.constant 128 : i32
        %min3A_118 = arith.minsi %min3A, %sub3A_117 : i32
        %while3A_119 = arith.constant 0 : i32
        %while3A_120 = arith.constant 0 : i32
        %while3A_121 = arith.subi %min3A_118, %while3A_119 : i32
        %while3A_122 = arith.addi %while3A_119, %while3A_121 : i32
        %while3A_123 = arith.constant 1 : i32
        %while3A_124 = arith.divsi %while3A_121, %while3A_123 : i32
        %while3A_125 = arith.muli %while3A_124, %while3A_123 : i32
        %while3A_126 = arith.addi %while3A_119, %while3A_125 : i32
        %while3A_127 = arith.constant 1 : i32
        %while3A_128 = scf.for %while3A_132 = %while3A_119 to %while3A_126 step %while3A_127 iter_args(%while3A_133 = %while3A_120) -> (i32)  : i32 {
          %add3A_134 = arith.addi %mul3A_110, %while3A_132 : i32
          %get3A_135 = arith.index_cast %add3A_134 : i32 to index
          %get3A_136 = tpu.vector_load %arg14[%get3A_135] {strides = array<i32>} : memref<16640xi32, #tpu.memory_space<vmem>>, vector<16xi32>,
          %slice3A_137 = vector.extract_strided_slice %get3A_136 {offsets = [0], sizes = [1], strides = [1]} : vector<16xi32> to vector<1xi32>
          %squeeze3A_138 = vector.extract %slice3A_137[0] : i32 from vector<1xi32>
          %get3A_139 = arith.index_cast %squeeze3A_138 : i32 to index
          %get3A_140 = tpu.vector_load %arg13[%get3A_139] {strides = array<i32>} : memref<1744xi32, #tpu.memory_space<vmem>>, vector<16xi32>,
          %slice3A_141 = vector.extract_strided_slice %get3A_140 {offsets = [0], sizes = [1], strides = [1]} : vector<16xi32> to vector<1xi32>
          %squeeze3A_142 = vector.extract %slice3A_141[0] : i32 from vector<1xi32>
          %mul3A_143 = arith.constant 16 : i32
          %mul3A_144 = arith.muli %squeeze3A_138, %mul3A_143 : i32
          %get3A_145 = arith.index_cast %mul3A_144 : i32 to index
          %get3A_146 = tpu.vector_load %arg12[%get3A_145] {strides = array<i32>} : memref<27648xf32, #tpu.memory_space<vmem>>, vector<16xf32>,
          %get3A_147 = arith.index_cast %while3A_132 : i32 to index
          %get3A_148 = arith.constant 0 : index
          %get3A_149 = tpu.vector_load %arg16[%get3A_147, %get3A_148] {strides = array<i32>} : memref<128x16xf32, #tpu.memory_space<vmem>>, vector<16xf32>,
          %lt3A = arith.constant 63 : i32
          %lt3A_150 = arith.cmpi slt, %squeeze3A_142, %lt3A : i32
          %max3A = arith.maximumf %get3A_146, %get3A_149 : vector<16xf32>
          %select_n3A_151 = arith.select %lt3A_150, %max3A, %get3A_146 : vector<16xf32>
          %mul3A_152 = arith.constant 16 : i32
          %mul3A_153 = arith.muli %squeeze3A_138, %mul3A_152 : i32
          %swap3A = arith.index_cast %mul3A_153 : i32 to index
          %swap3A_154 = tpu.vector_load %arg12[%swap3A] {strides = array<i32>} : memref<27648xf32, #tpu.memory_space<vmem>>, vector<16xf32>,
          tpu.vector_store %arg12[%swap3A], %select_n3A_151 {strides = array<i32>} : memref<27648xf32, #tpu.memory_space<vmem>>, vector<16xf32>,
          %eq3A = arith.constant 0 : i32
          %eq3A_155 = vector.broadcast %eq3A : i32 to vector<16xi32>
          %eq3A_156 = arith.cmpi eq, %iota3A, %eq3A_155 : vector<16xi32>
          %and3A_157 = vector.broadcast %lt3A_150 : i1 to vector<16xi1>
          %and3A_158 = arith.andi %and3A_157, %eq3A_156 : vector<16xi1>
          %add3A_159 = arith.constant 1 : i32
          %add3A_160 = vector.broadcast %add3A_159 : i32 to vector<16xi32>
          %add3A_161 = arith.addi %get3A_140, %add3A_160 : vector<16xi32>
          %select_n3A_162 = arith.select %and3A_158, %add3A_161, %get3A_140 : vector<16xi1>, vector<16xi32>
          %swap3A_163 = arith.index_cast %squeeze3A_138 : i32 to index
          %swap3A_164 = tpu.vector_load %arg13[%swap3A_163] {strides = array<i32>} : memref<1744xi32, #tpu.memory_space<vmem>>, vector<16xi32>,
          tpu.vector_store %arg13[%swap3A_163], %select_n3A_162 {strides = array<i32>} : memref<1744xi32, #tpu.memory_space<vmem>>, vector<16xi32>,
          %while3A_165 = arith.constant 0 : i32
          scf.yield %while3A_165 : i32
        }
        %while3A_129 = arith.constant 1 : i32
        %while3A_130 = scf.for %while3A_132 = %while3A_126 to %while3A_122 step %while3A_129 iter_args(%while3A_133 = %while3A_128) -> (i32)  : i32 {
          %add3A_134 = arith.addi %mul3A_110, %while3A_132 : i32
          %get3A_135 = arith.index_cast %add3A_134 : i32 to index
          %get3A_136 = tpu.vector_load %arg14[%get3A_135] {strides = array<i32>} : memref<16640xi32, #tpu.memory_space<vmem>>, vector<16xi32>,
          %slice3A_137 = vector.extract_strided_slice %get3A_136 {offsets = [0], sizes = [1], strides = [1]} : vector<16xi32> to vector<1xi32>
          %squeeze3A_138 = vector.extract %slice3A_137[0] : i32 from vector<1xi32>
          %get3A_139 = arith.index_cast %squeeze3A_138 : i32 to index
          %get3A_140 = tpu.vector_load %arg13[%get3A_139] {strides = array<i32>} : memref<1744xi32, #tpu.memory_space<vmem>>, vector<16xi32>,
          %slice3A_141 = vector.extract_strided_slice %get3A_140 {offsets = [0], sizes = [1], strides = [1]} : vector<16xi32> to vector<1xi32>
          %squeeze3A_142 = vector.extract %slice3A_141[0] : i32 from vector<1xi32>
          %mul3A_143 = arith.constant 16 : i32
          %mul3A_144 = arith.muli %squeeze3A_138, %mul3A_143 : i32
          %get3A_145 = arith.index_cast %mul3A_144 : i32 to index
          %get3A_146 = tpu.vector_load %arg12[%get3A_145] {strides = array<i32>} : memref<27648xf32, #tpu.memory_space<vmem>>, vector<16xf32>,
          %get3A_147 = arith.index_cast %while3A_132 : i32 to index
          %get3A_148 = arith.constant 0 : index
          %get3A_149 = tpu.vector_load %arg16[%get3A_147, %get3A_148] {strides = array<i32>} : memref<128x16xf32, #tpu.memory_space<vmem>>, vector<16xf32>,
          %lt3A = arith.constant 63 : i32
          %lt3A_150 = arith.cmpi slt, %squeeze3A_142, %lt3A : i32
          %max3A = arith.maximumf %get3A_146, %get3A_149 : vector<16xf32>
          %select_n3A_151 = arith.select %lt3A_150, %max3A, %get3A_146 : vector<16xf32>
          %mul3A_152 = arith.constant 16 : i32
          %mul3A_153 = arith.muli %squeeze3A_138, %mul3A_152 : i32
          %swap3A = arith.index_cast %mul3A_153 : i32 to index
          %swap3A_154 = tpu.vector_load %arg12[%swap3A] {strides = array<i32>} : memref<27648xf32, #tpu.memory_space<vmem>>, vector<16xf32>,
          tpu.vector_store %arg12[%swap3A], %select_n3A_151 {strides = array<i32>} : memref<27648xf32, #tpu.memory_space<vmem>>, vector<16xf32>,
          %eq3A = arith.constant 0 : i32
          %eq3A_155 = vector.broadcast %eq3A : i32 to vector<16xi32>
          %eq3A_156 = arith.cmpi eq, %iota3A, %eq3A_155 : vector<16xi32>
          %and3A_157 = vector.broadcast %lt3A_150 : i1 to vector<16xi1>
          %and3A_158 = arith.andi %and3A_157, %eq3A_156 : vector<16xi1>
          %add3A_159 = arith.constant 1 : i32
          %add3A_160 = vector.broadcast %add3A_159 : i32 to vector<16xi32>
          %add3A_161 = arith.addi %get3A_140, %add3A_160 : vector<16xi32>
          %select_n3A_162 = arith.select %and3A_158, %add3A_161, %get3A_140 : vector<16xi1>, vector<16xi32>
          %swap3A_163 = arith.index_cast %squeeze3A_138 : i32 to index
          %swap3A_164 = tpu.vector_load %arg13[%swap3A_163] {strides = array<i32>} : memref<1744xi32, #tpu.memory_space<vmem>>, vector<16xi32>,
          tpu.vector_store %arg13[%swap3A_163], %select_n3A_162 {strides = array<i32>} : memref<1744xi32, #tpu.memory_space<vmem>>, vector<16xi32>,
          %while3A_165 = arith.constant 0 : i32
          scf.yield %while3A_165 : i32
        }
        %while3A_131 = arith.constant 0 : i32
        scf.yield %while3A_131 : i32
      }
      %scan3A_99 = arith.constant 0 : i32
      %scan3A_100 = arith.constant 0 : i32
      %scan3A_101 = arith.constant 1728 : i32
      %scan3A_102 = arith.addi %scan3A_100, %scan3A_101 : i32
      %scan3A_103 = arith.constant 1 : i32
      %scan3A_104 = scf.for %scan3A_107 = %scan3A_100 to %scan3A_102 step %scan3A_103 iter_args(%scan3A_108 = %scan3A_99) -> (i32)  : i32 {
        %mul3A_109 = arith.constant 16 : i32
        %mul3A_110 = arith.muli %scan3A_107, %mul3A_109 : i32
        %get3A_111 = arith.index_cast %mul3A_110 : i32 to index
        %get3A_112 = tpu.vector_load %arg12[%get3A_111] {strides = array<i32>} : memref<27648xf32, #tpu.memory_space<vmem>>, vector<16xf32>,
        %eq3A = arith.cmpf oeq, %get3A_112, %broadcast_in_dim3A_5 : vector<16xf32>
        %select_n3A_113 = arith.select %eq3A, %broadcast_in_dim3A_3, %get3A_112 : vector<16xi1>, vector<16xf32>
        %mul3A_114 = arith.constant 16 : i32
        %mul3A_115 = arith.muli %scan3A_107, %mul3A_114 : i32
        %swap3A = arith.index_cast %mul3A_115 : i32 to index
        %swap3A_116 = tpu.vector_load %arg12[%swap3A] {strides = array<i32>} : memref<27648xf32, #tpu.memory_space<vmem>>, vector<16xf32>,
        tpu.vector_store %arg12[%swap3A], %select_n3A_113 {strides = array<i32>} : memref<27648xf32, #tpu.memory_space<vmem>>, vector<16xf32>,
        %scan3A_117 = arith.constant 0 : i32
        scf.yield %scan3A_117 : i32
      }
      %scan3A_105 = arith.constant 1728 : i32
      "tpu.region"() ({
        %run_scoped3A = tpu.sem_alloc : memref<!tpu.dma_semaphore, #tpu.memory_space<semaphore_mem>>
        %dma_start3A = arith.constant 0 : i32
        %dma_start3A_107 = tpu.memref_slice %arg7[%add3A_16, %dma_start3A] : memref<128x27648xf32, #tpu.memory_space<hbm>> -> memref<1x27648xf32, #tpu.memory_space<hbm>>
        %dma_start3A_108 = tpu.memref_squeeze %dma_start3A_107 : memref<1x27648xf32, #tpu.memory_space<hbm>> -> memref<27648xf32, #tpu.memory_space<hbm>>
        %dma_start3A_109 = arith.constant 0 : i32
        %dma_start3A_110 = tpu.memref_slice %arg7[%add3A_16, %dma_start3A_109] : memref<128x27648xf32, #tpu.memory_space<hbm>> -> memref<1x27648xf32, #tpu.memory_space<hbm>>
        %dma_start3A_111 = tpu.memref_squeeze %dma_start3A_110 : memref<1x27648xf32, #tpu.memory_space<hbm>> -> memref<27648xf32, #tpu.memory_space<hbm>>
        tpu.enqueue_dma source(%arg12 : memref<27648xf32, #tpu.memory_space<vmem>>) target(%dma_start3A_111 : memref<27648xf32, #tpu.memory_space<hbm>>) target_semaphore(%run_scoped3A : memref<!tpu.dma_semaphore, #tpu.memory_space<semaphore_mem>>)
        %dma_wait3A = arith.constant 0 : i32
        %dma_wait3A_112 = tpu.memref_slice %arg7[%add3A_16, %dma_wait3A] : memref<128x27648xf32, #tpu.memory_space<hbm>> -> memref<1x27648xf32, #tpu.memory_space<hbm>>
        %dma_wait3A_113 = tpu.memref_squeeze %dma_wait3A_112 : memref<1x27648xf32, #tpu.memory_space<hbm>> -> memref<27648xf32, #tpu.memory_space<hbm>>
        %dma_wait3A_114 = arith.constant 0 : i32
        %dma_wait3A_115 = tpu.memref_slice %arg7[%add3A_16, %dma_wait3A_114] : memref<128x27648xf32, #tpu.memory_space<hbm>> -> memref<1x27648xf32, #tpu.memory_space<hbm>>
        %dma_wait3A_116 = tpu.memref_squeeze %dma_wait3A_115 : memref<1x27648xf32, #tpu.memory_space<hbm>> -> memref<27648xf32, #tpu.memory_space<hbm>>
        tpu.wait_dma2 semaphore(%run_scoped3A : memref<!tpu.dma_semaphore, #tpu.memory_space<semaphore_mem>>) src(%arg12 : memref<27648xf32, #tpu.memory_space<vmem>>) dst(%dma_wait3A_116 : memref<27648xf32, #tpu.memory_space<hbm>>)
        tpu.yield
      }) : () -> ()
      %scan3A_106 = arith.constant 0 : i32
      scf.yield %scan3A_106 : i32
    }
    %scan3A_11 = arith.constant 4 : i32
    return
  }
}

</mosaic_0001>

<sc_bundles>
// kernel: kernel.3.cloned.1.call-start
scs
__scs_entry_jumppad:
0x0: {  	(pc) =	sbr.rel $0x88, $3  }
0x1: {  	(tag) =	ssettag $0x0;
	lr =	simm.s32 $0x1  }
0x2: {  	[smem:$0x3F9E] =	sst lr;
	_ =	strace $0xD0000000  }
0x3: {  	_ = 	snop  }
0x4: {  	_ = 	snop  }
0x5: {  	_ = 	snop  }
0x6: {  	_ = 	snop  }
0x7: {  	_ = 	snop  }
__scs_overlays_trampoline_lowered:
0x8: {  	[smem:$0x3FAD] =	sst s0  }
0x9: {  	[smem:$0x3FAE] =	sst s1  }
0xa: {  	[smem:$0x3FAF] =	sst s2  }
0xb: {  	[smem:$0x3FB0] =	sst s3  }
0xc: {  	[smem:$0x3FB1] =	sst s4  }
0xd: {  	[smem:$0x3FB2] =	sst s5  }
0xe: {  	[smem:$0x3FB3] =	sst s6  }
0xf: {  	[smem:$0x3FB4] =	sst s7  }
0x10: {  	[smem:$0x3FB5] =	sst s8  }
0x11: {  	[smem:$0x3FB6] =	sst s9;
	s0 =	simm.s32 @!p0 $0x0  }
0x12: {  	s1 =	sld [smem:$0x3F9C];
	s0 =	simm.s32 @p0 $0x1  }
0x13: {  	[smem:$0x3FB7] =	sst s0;
	s0 =	simm.s32 @!p1 $0x0  }
0x14: {  	s2 =	sld [smem:$0x3F9B];
	s0 =	simm.s32 @p1 $0x1  }
0x15: {  	[smem:$0x3FB8] =	sst s0;
	s0 =	simm.s32 @!p2 $0x0  }
0x16: {  	s3 =	sld [smem:$0x3FDB];
	s0 =	simm.s32 @p2 $0x1  }
0x17: {  	s4 =	simm.s32 $0x1BF5;
	[smem:$0x3FBA] =	sst s0  }
0x18: {  	s0 =	sld [smem:$0x3F9D];
	_ =	swait.ge [sflag:s4], $0x0  }
0x19: {  	s7 =	sld [smem:$0x3F9E]  }
0x1a: {  	s8 =	sadd.s32 $0xFFFFE003, lr  }
0x1b: {  	s9 =	sadd.s32 $0xFFFFFEF7, lr;
	s5 =	simm.s32 $0xFFFFFFFF;
	p2 =	slt.u32 s8, $0xFFFFF086  }
0x1c: {  	p1 =	slt.u32 s9, $0xF7A;
	s5 =	simm.s32 @!p2 $0x0  }
0x1d: {  	s5 =	simm.s32 @p1 $0x1;
	p0 =	seq.s32 s7, s2  }
0x1e: {  	s7 =	smul.u32 @!p0 $0xF7A, s2;
	p2 =	seq.s32 @!p0 s5, $0x0  }
0x1f: {  	s9 =	smul.u32 $0xF7A, s1;
	s8 =	simm.s32 @!p0 $0x1BF5;
	p2 =	por !p2, p0  }
0x20: {  	[sflag:s8] =	ssyncset.s32 @!p0 $0xFFFFF086;
	s6 =	sadd.s32 @!p0 s3, s7;
	s7 =	simm.s32 @!p0 $0x108  }
0x21: {  	s3 =	sadd.s32 s3, s9;
	s6 =	sadd.s32 @!p0 $0x88, s6;
	s7 =	simm.s32 @p2 $0x1082  }
0x22: {  	[simem:s7], [sflag:s8] =	dma.local @!p0 [hbm:s6], $0xF7A  }
0x23: {  	s9 =	sor.u32 $0xD0000000, s2;
	s6 =	simm.s32 $0x108;
	_ =	swait.ge @!p0 [sflag:s8], $0x0  }
0x24: {  	s3 =	sadd.s32 $0x88, s3;
	s6 =	simm.s32 @!p1 $0x1082;
	[sflag:s4] =	ssyncset.s32 $0xFFFFF086  }
0x25: {  	[simem:s6], [sflag:s4] =	dma.local [hbm:s3], $0xF7A  }
0x26: {  	[smem:$0x3F9E] =	sst s1;
	(tag) =	ssettag s2;
	_ =	strace s9  }
0x27: {  	s1 =	sld [smem:$0x3FAE]  }
0x28: {  	s2 =	sld [smem:$0x3FAF]  }
0x29: {  	s4 =	sld [smem:$0x3FB1]  }
0x2a: {  	p0 =	seq.s32 s5, $0x0;
	s5 =	sld [smem:$0x3FB2]  }
0x2b: {  	s6 =	sld [smem:$0x3FB3]  }
0x2c: {  	s7 =	sld [smem:$0x3FB4]  }
0x2d: {  	s3 =	simm.s32 $0x108;
	s8 =	sld [smem:$0x3FB5]  }
0x2e: {  	s3 =	simm.s32 @!p0 $0x1082;
	s9 =	sld [smem:$0x3FB6]  }
0x2f: {  	lr =	sadd.s32 s0, s3;
	s0 =	sld [smem:$0x3FAD]  }
0x30: {  	s3 =	sld [smem:$0x3FB0]  }
0x31: {  	[smem:$0x3FB9] =	sst s10  }
0x32: {  	s10 =	sld [smem:$0x3FB7];
	_ =	sdelay $0x3  }
0x33: {  	p0 =	seq.s32 s10, $0x1;
	s10 =	sld [smem:$0x3FB9];
	_ =	sdelay $0x3  }
0x34: {  	[smem:$0x3FB9] =	sst s10  }
0x35: {  	s10 =	sld [smem:$0x3FB8];
	_ =	sdelay $0x3  }
0x36: {  	p1 =	seq.s32 s10, $0x1;
	s10 =	sld [smem:$0x3FB9];
	_ =	sdelay $0x3  }
0x37: {  	[smem:$0x3FB9] =	sst s10  }
0x38: {  	s10 =	sld [smem:$0x3FBA]  }
0x39: {  	_ = 	snop;
	(pc) =	sbr.ind lr, $3  }
0x3a: {  	_ = 	snop  }
0x3b: {  	_ = 	snop  }
0x3c: {  	p2 =	seq.s32 s10, $0x1;
	s10 =	sld [smem:$0x3FB9]  }
0x3d: {  	_ =	shalt  }
0x3e: {  	_ =	shalt  }
0x3f: {  	_ =	shalt  }
0x40: {  	_ =	shalt  }
0x41: {  	_ =	shalt  }
0x42: {  	_ =	shalt  }
0x43: {  	_ =	shalt  }
0x44: {  	_ =	shalt  }
0x45: {  	_ =	shalt  }
0x46: {  	_ =	shalt  }
0x47: {  	_ =	shalt  }
0x48: {  	_ =	shalt  }
0x49: {  	_ =	shalt  }
0x4a: {  	_ =	shalt  }
0x4b: {  	_ =	shalt  }
0x4c: {  	_ =	shalt  }
0x4d: {  	_ =	shalt  }
0x4e: {  	_ =	shalt  }
0x4f: {  	_ =	shalt  }
0x50: {  	_ =	shalt  }
0x51: {  	_ =	shalt  }
0x52: {  	_ =	shalt  }
0x53: {  	_ =	shalt  }
0x54: {  	_ =	shalt  }
0x55: {  	_ =	shalt  }
0x56: {  	_ =	shalt  }
0x57: {  	_ =	shalt  }
0x58: {  	_ =	shalt  }
0x59: {  	_ =	shalt  }
0x5a: {  	_ =	shalt  }
0x5b: {  	_ =	shalt  }
0x5c: {  	_ =	shalt  }
0x5d: {  	_ =	shalt  }
0x5e: {  	_ =	shalt  }
0x5f: {  	_ =	shalt  }
0x60: {  	_ =	shalt  }
0x61: {  	_ =	shalt  }
0x62: {  	_ =	shalt  }
0x63: {  	_ =	shalt  }
0x64: {  	_ =	shalt  }
0x65: {  	_ =	shalt  }
0x66: {  	_ =	shalt  }
0x67: {  	_ =	shalt  }
0x68: {  	_ =	shalt  }
0x69: {  	_ =	shalt  }
0x6a: {  	_ =	shalt  }
0x6b: {  	_ =	shalt  }
0x6c: {  	_ =	shalt  }
0x6d: {  	_ =	shalt  }
0x6e: {  	_ =	shalt  }
0x6f: {  	_ =	shalt  }
0x70: {  	_ =	shalt  }
0x71: {  	_ =	shalt  }
0x72: {  	_ =	shalt  }
0x73: {  	_ =	shalt  }
0x74: {  	_ =	shalt  }
0x75: {  	_ =	shalt  }
0x76: {  	_ =	shalt  }
0x77: {  	_ =	shalt  }
0x78: {  	_ =	shalt  }
0x79: {  	_ =	shalt  }
0x7a: {  	_ =	shalt  }
0x7b: {  	_ =	shalt  }
0x7c: {  	_ =	shalt  }
0x7d: {  	_ =	shalt  }
0x7e: {  	_ =	shalt  }
0x7f: {  	_ =	shalt  }
0x80: {  	_ =	shalt  }
0x81: {  	_ =	shalt  }
0x82: {  	_ =	shalt  }
0x83: {  	_ =	shalt  }
0x84: {  	_ =	shalt  }
0x85: {  	_ =	shalt  }
0x86: {  	_ =	shalt  }
0x87: {  	_ =	shalt  }
.Lfunc_end0:
.L_simem_size_0:
called_computation_lowered:
.L_overlay_start_0:
0x88: {  	s2 =	sld [smem:$0x3FD9]  }
0x89: {  	s3 =	sld [smem:$0x3FFE];
	_ =	sdelay $0x1  }
0x8a: {  	s1 =	srdreg.scid  }
0x8b: {  	s0 =	sand.u32 $0x1, s1  }
0x8c: {  	s17 =	sshll.u32 s0, $0xA;
	s2 =	sadd.s32 s3, s2  }
0x8d: {  	s2 =	sadd.s32 s2, s17  }
0x8e: {  	[smem:$0x3FC5] =	sst s2  }
0x8f: {  	_ = 	snop  }
0x90: {  	s2 =	sld [smem:$0x3FD0];
	(tm) =	ssettm $0x1  }
0x91: {  	s18 =	sld [smem:$0x3FFB];
	_ =	sdelay $0x3  }
0x92: {  	_ =	strace s18  }
0x93: {  	s3 =	sld [smem:$0x3FFC];
	_ =	sdelay $0x3  }
0x94: {  	_ =	strace s3  }
0x95: {  	s3 =	sld [smem:$0x3FFD];
	_ =	sdelay $0x3  }
0x96: {  	_ =	strace s3  }
0x97: {  	_ =	strace $0x8FFFFFFF  }
0x98: {  	s19 =	sld [smem:$0x3FDB];
	_ =	sdelay $0x1  }
0x99: {  	s4 =	simm.s32 $_scs_section_size  }
0x9a: {  	s5 =	simm.s32 $_size__tile_overlayer_lowered;
	s6 =	simm.s32 $_tile_overlayer_lowered  }
0x9b: {  	s22 =	simm.s32 $0x1BFF;
	s21 =	sshll.u32 s6, $0x1;
	s3 =	sadd.s32 s4, s19  }
0x9c: {  	s7 =	simm.s32 $0x0;
	s20 =	sshll.u32 s5, $0x1;
	s5 =	sadd.s32 s21, s3  }
0x9d: {  	[timem:s7], [sflag:s22] =	dma.local [hbm:s5], s20  }
0x9e: {  	_ =	swait.ge [sflag:s22], s20  }
0x9f: {  	s4 =	ssub.s32 $0x0, s20;
	[sflag:s22] =	ssyncset.done $0x0  }
0xa0: {  	[sflag:s22] =	ssyncadd.s32 s4;
	_ =	sdelay $0x1  }
0xa1: {  	s23 =	simm.s32 $0x1B8B  }
0xa2: {  	_ =	swait.ge [sflag:s23], $0x1  }
0xa3: {  	[sflag:s23] =	ssyncset.done $0x0  }
0xa4: {  	s25 =	simm.s32 $0x1B8E;
	s24 =	sld [smem:$0x3FFE];
	[sflag:s23] =	ssyncadd.s32 $0xFFFFFFFF  }
0xa5: {  	s26 =	simm.s32 $execute0_lowered;
	[smem:$0x3FD2] =	sst s25  }
0xa6: {  	s5 =	sshll.u32 s26, $0x1;
	_ =	strace $0x80000046;
	[dreg:$0x1] =	wrdreg $0xFFFFFFFF  }
0xa7: {  	s28 =	simm.s32 $_size_execute0_lowered;
	s3 =	sadd.s32 s3, s5;
	[dreg:$0x0] =	wrdreg $0x0  }
0xa8: {  	s5 =	sshll.u32 s28, $0x1;
	[dreg:$0x2] =	wrdreg s3  }
0xa9: {  	[dreg:$0x3] =	wrdreg s5  }
0xaa: {  	[dreg:$0x4] =	wrdreg $0xC0  }
0xab: {  	_ =	task [dreg:s7], $0x5FFFF  }
0xac: {  	[dreg:$0x1] =	wrdreg $0xFFFFFFFF  }
0xad: {  	[dreg:$0x0] =	wrdreg $0x60  }
0xae: {  	[dreg:$0x2] =	wrdreg s24  }
0xaf: {  	[dreg:$0x3] =	wrdreg s2  }
0xb0: {  	[dreg:$0x4] =	wrdreg $0x9  }
0xb1: {  	_ =	task.clear_ibuf [dreg:s7], $0x5FFFF;
	_ =	strace $0x90000046  }
0xb2: {  	s29 =	simm.s32 $0x9;
	_ =	strace $0x80000048  }
0xb3: {  	_ =	swait.ge [sflag:s29], $0x1  }
0xb4: {  	[sflag:s29] =	ssyncadd.s32 $0xFFFFFFFF  }
0xb5: {  	_ =	strace $0x90000048  }
0xb6: {  	_ =	sfence  }
0xb7: {  	s30 =	sld [smem:$0x0];
	_ =	sdelay $0x2  }
0xb8: {  	s31 =	sshll.u32 s1, $0xD;
	s1 =	sshrl.u32 s1, $0x2  }
0xb9: {  	s3 =	sand.u32 $0x4000, s31;
	s1 =	sadd.s32 s1, s30  }
0xba: {  	s0 =	sor.u32 s3, s0;
	s1 =	sshll.u32 s1, $0x11  }
0xbb: {  	s0 =	sor.u32 s1, s0  }
0xbc: {  	s0 =	sadd.s32 $0x8F2B, s0  }
0xbd: {  	[sflag:s0] =	ssyncadd.remote.s32 $0x1  }
0xbe: {  	_ =	sfence.sel $0xFFFF  }
0xbf: {  	[dreg:$0x0] =	wrdreg $0xFFFFFFFF;
	(pc) =	sbr.abs _section_cstart, $3  }
0xc0: {  	[dreg:$0x1] =	wrdreg $0xFFFFFFFF  }
0xc1: {  	_ =	task.clear_ibuf [dreg:s7], $0x2FFFF;
	_ =	strace $0x9FFFFFFF  }
0xc2: {  	(tm) =	ssettm $0x7FFFFFFF  }
0xc3: {  	_ =	shalt  }
tec
execute0_lowered:
.L_overlay_start_1:
0x0: {  	(tag) =	ssettag $0x1  }
0x1: {  	s0 =	rddreg [dreg:$0x0]  }
0x2: {  	s1 =	rddreg [dreg:$0x1]  }
0x3: {  	s2 =	simm.s32 $0x0;
	s5 =	srdreg.scid;
	s29 =	stileid.u32  }
0x4: {  	s11 =	simm.s32 $0x2;
	s13 =	simm.s32 $0x8000;
	s14 =	simm.s32 $0xC000  }
0x5: {  	s15 =	simm.s32 $0x13AD0;
	s16 =	simm.s32 $0x17BD0;
	s17 =	simm.s32 $0x1  }
0x6: {  	s18 =	simm.s32 $0x80;
	s19 =	simm.s32 $0xC800;
	s20 =	simm.s32 $0x0  }
0x7: {  	[smem:$0x7FF] =	sst s2;
	s3 =	sadd.s32 $0x1A00, s0;
	s9 =	sand.u32 $0x1, s5  }
0x8: {  	s4 =	sadd.s32 $0x1200, s0;
	s6 =	sadd.s32 $0xA00, s0;
	s10 =	ssub.s32 $0x2, s9  }
0x9: {  	s7 =	sadd.s32 $0x800, s0;
	s8 =	sadd.s32 $0x2200, s0;
	s30 =	sshrl.u32 s10, $0x1  }
0xa: {  	v0 =	vimm.f32 $-Inf;
	v1 =	vimm.s32 $0x0;
	s31 =	sshll.u32 s29, $0x3;
	s9 =	sshll.u32 s9, $0x2;
	s0 =	ssub.s32 s10, s30  }
0xb: {  	v2 =	vlaneseq.u32;
	vm0 =	vmxor vm0, vm0;
	vm1 =	vmmov $0x1;
	_ =	strace $0x80000047;
	s9 =	sor.u32 s9, s31;
	s10 =	smax.u32 s0, $0x1  }
.LBB2_1:
0xc: {  	[tilespmem:s2], [sflag:$0x2] =	stream.linear.gather [hbm4b:s3+s2], $0x4000, $0x38;
	[tilespmem:$0x1C4D0] =	vst v63  }
0xd: {  	_ =	swait.ge [sflag:s11], $0x4000  }
0xe: {  	[sflag:s11] =	ssyncset.done $0x0  }
0xf: {  	s0 =	simm.s32 $0x4000;
	[sflag:s11] =	ssyncadd.s32 $0xFFFFC000  }
0x10: {  	[tilespmem:s0], [sflag:$0x2] =	stream.linear.gather [hbm4b:s4+s2], $0x4000, $0x38;
	[tilespmem:$0x1C4D0] =	vst v63  }
0x11: {  	_ =	swait.ge [sflag:s11], $0x4000  }
0x12: {  	[sflag:s11] =	ssyncset.done $0x0  }
0x13: {  	[sflag:s11] =	ssyncadd.s32 $0xFFFFC000  }
0x14: {  	[tilespmem:s13], [sflag:$0x2] =	stream.linear.gather [hbm4b:s6+s2], $0x4000, $0x38;
	[tilespmem:$0x1C4D0] =	vst v63  }
0x15: {  	_ =	swait.ge [sflag:s11], $0x4000  }
0x16: {  	[sflag:s11] =	ssyncset.done $0x0  }
0x17: {  	[sflag:s11] =	ssyncadd.s32 $0xFFFFC000  }
0x18: {  	[tilespmem:s14], [sflag:$0x2] =	stream.linear.gather [hbm4b:s7+s2], $0x800, $0x38;
	[tilespmem:$0x1C4D0] =	vst v63  }
0x19: {  	_ =	swait.ge [sflag:s11], $0x800  }
0x1a: {  	[sflag:s11] =	ssyncset.done $0x0  }
0x1b: {  	s21 =	simm.s32 $0x0;
	[sflag:s11] =	ssyncadd.s32 $0xFFFFF800  }
.LBB2_2:
0x1c: {  	s22 =	sadd.s32 s9, s21  }
0x1d: {  	s0 =	sshll.u32 s22, $0x4  }
0x1e: {  	s0 =	sand.u32 $0x3FFFFFF0, s0  }
0x1f: {  	s23 =	simm.s32 $0x0;
	v6 =	vld [tilespmem:s0+$0xC000];
	s0 =	simm.s32 $0x40  }
.LBB2_3:
0x20: {  	p0 =	seq.s32 s0, $0x1AFC0;
	[tilespmem:s23+$0xC800] =	vst v0;
	s23 =	smov.u32 s0;
	s0 =	sadd.s32 $0x40, s0  }
.Ltmp0:
0x21: {  	(pc) =	sbr.rel @!p0 .LBB2_3-.Ltmp0, $2  }
0x22: {  	_ =	sdelay $0x2  }
0x23: {  	s23 =	sshra.s32 s23, $0x2  }
0x24: {  	[tilespmem:s23+$0xC800] =	vst v0;
	s0 =	simm.s32 $0x40;
	s23 =	simm.s32 $0x0  }
.LBB2_5:
0x25: {  	p0 =	seq.s32 s0, $0x1B00;
	[tilespmem:s23+$0x13400] =	vst v1;
	s23 =	smov.u32 s0;
	s0 =	sadd.s32 $0x40, s0  }
.Ltmp1:
0x26: {  	(pc) =	sbr.rel @!p0 .LBB2_5-.Ltmp1, $2  }
0x27: {  	_ =	sdelay $0x2  }
0x28: {  	s23 =	sshra.s32 s23, $0x2  }
0x29: {  	(v2sf) =	vpush v6, $0x4  }
0x2a: {  	(v2sf) =	vpush v6, $0x5;
	_ =	sdelay $0x6  }
0x2b: {  	(v2sf) =	vpush v6, $0x8;
	_ =	sdelay $0x6  }
0x2c: {  	s0 =	spop (v2sf)  }
0x2d: {  	s31 =	spop (v2sf)  }
0x2e: {  	[tilespmem:s23+$0x13400] =	vst v1;
	s23 =	ssub.f32 $0.0e+00, s31  }
0x2f: {  	s26 =	simm.s32 $0x4000  }
0x30: {  	v18 =	vld [tilespmem:s26+$0x0];
	v11 =	vmov s23;
	s23 =	simm.s32 $0x0  }
0x31: {  	v19 =	vld [tilespmem:s23+$0x0]  }
0x32: {  	v3 =	vbroadcast v6, $0x9;
	v4 =	vbroadcast v6, $0xA  }
0x33: {  	v10 =	vbroadcast v6, $0x0;
	v12 =	vbroadcast v6, $0x1;
	s25 =	simm.s32 $0x8000  }
0x34: {  	v9 =	vbroadcast v6, $0x7;
	v13 =	vbroadcast v6, $0x8;
	v20 =	vld [tilespmem:s25+$0x0];
	s24 =	spop (v2sf)  }
0x35: {  	v17 =	vbroadcast v6, $0x3;
	(erf) = vrcp.f32 v3;
	s24 =	ssub.f32 $0.0e+00, s24  }
0x36: {  	v14 =	vbroadcast v6, $0x6;
	v18 =	vsub.f32 v18, v12;
	v19 =	vsub.f32 v19, v10  }
0x37: {  	v8 =	vbroadcast v6, $0x4;
	(erf) = vrcp.f32 v4;
	v16 =	vmov s24  }
0x38: {  	v22 =	vmul.f32 v18, v16;
	v21 =	vmul.f32 v19, v9  }
0x39: {  	v7 =	vbroadcast v6, $0x5;
	v3 =	vbroadcast v6, $0xB;
	v23 =	vsub.f32 v20, v17;
	s0 =	ssub.f32 $0.0e+00, s0  }
0x3a: {  	v18 =	vmul.f32 v18, v9;
	v19 =	vmul.f32 v19, v13;
	v21 =	vadd.f32 v22, v21  }
0x3b: {  	(erf) = vrcp.f32 v3;
	v15 =	vmov s0;
	v22 =	vand.u32 $0x7FFFFFFF, v23  }
0x3c: {  	v18 =	vadd.f32 v18, v19;
	vm2 =	vle.f32 v22, v14;
	vm3 =	vgt.f32 v21, v15  }
0x3d: {  	v19 =	vadd.f32 v21, v8;
	vm2 =	vmand vm2, vm3;
	vm3 =	vlt.f32 v21, v8  }
0x3e: {  	v3 =	vpop (erf);
	vm2 =	vmand vm3, vm2;
	vm3 =	vgt.f32 v18, v11  }
0x3f: {  	v19 =	vmul.f32 v19, v3;
	vm2 =	vmand vm3, vm2;
	vm3 =	vlt.f32 v18, v7  }
0x40: {  	v18 =	vadd.f32 v18, v7;
	vm2 =	vmand vm3, vm2  }
0x41: {  	v4 =	vbroadcast v6, $0x2;
	v5 =	vpop (erf);
	v19 =	vtrunc.f32 v19;
	v22 =	vsel vm2, $0x1, v1  }
0x42: {  	v18 =	vmul.f32 v18, v5;
	v19 =	vcvt.f32.s32 v19;
	(xrf0) =	vadd.scan.msk.s32 $0xffff, v22  }
0x43: {  	v20 =	vsub.f32 v20, v4  }
0x44: {  	v6 =	vpop (erf);
	v18 =	vtrunc.f32 v18;
	vm3 =	vgt.s32 v19, $0x0  }
0x45: {  	v20 =	vmul.f32 v20, v6;
	v21 =	vcvt.f32.s32 v18;
	v18 =	vnsel vm3, $0x0, v19;
	_ =	sdelay $0x1  }
0x46: {  	v19 =	vtrunc.f32 v20  }
0x47: {  	s30 =	simm.s32 $0x20;
	v20 =	vmin.u32 v18, $0xB;
	v19 =	vcvt.f32.s32 v19;
	vm3 =	vgt.s32 v21, $0x0;
	v18, _, _ =	vpop (xrf0)  }
0x48: {  	s29 =	simm.s32 $0x0;
	s28 =	simm.s32 $0x0;
	s24 =	simm.s32 $0x10;
	v20 =	vmul.u32 $0xC, v20;
	v21 =	vnsel vm3, $0x0, v21;
	v22 =	vsub.s32 v18, v22  }
.LBB2_7:
0x49: {  	p0 =	seq.s32 s30, $0x3FF0;
	v21 =	vmin.u32 v21, $0xB;
	v22 =	vadd.s32 s23, v22;
	(v2sf) =	vpush v18, $0xF  }
0x4a: {  	vm3 =	vgt.s32 v19, $0x0;
	v18 =	vadd.s32 v21, v20  }
0x4b: {  	v19 =	vnsel vm3, $0x0, v19;
	v18 =	vmul.u32 $0xC, v18  }
0x4c: {  	v19 =	vmin.u32 v19, $0xB  }
0x4d: {  	v18 =	vadd.s32 v19, v18  }
0x4e: {  	v19 =	vor.u32 s29, v2;
	s29 =	smov.u32 s24;
	s24 =	smov.u32 s30;
	[tilespmem:v22+s15+$0x0] =	vst.idx.msk vm2, v18  }
0x4f: {  	s26 =	sadd.s32 $0x10, s26;
	[tilespmem:v22+s16+$0x0] =	vst.idx.msk vm2, v19  }
0x50: {  	s28 =	sadd.s32 $0x10, s28;
	v18 =	vld [tilespmem:s26+$0x0]  }
0x51: {  	v19 =	vld [tilespmem:s28+$0x0];
	_ =	sdelay $0x1  }
0x52: {  	s25 =	sadd.s32 $0x10, s25  }
0x53: {  	v20 =	vld [tilespmem:s25+$0x0];
	_ =	sdelay $0x1  }
0x54: {  	v18 =	vsub.f32 v18, v12;
	v19 =	vsub.f32 v19, v10;
	_ =	sdelay $0x1  }
0x55: {  	v22 =	vmul.f32 v18, v16;
	v21 =	vmul.f32 v19, v9;
	s0 =	spop (v2sf)  }
0x56: {  	v23 =	vsub.f32 v20, v17;
	s23 =	sadd.s32 s23, s0  }
0x57: {  	v18 =	vmul.f32 v18, v9;
	v19 =	vmul.f32 v19, v13;
	v21 =	vadd.f32 v22, v21  }
0x58: {  	v22 =	vand.u32 $0x7FFFFFFF, v23  }
0x59: {  	v18 =	vadd.f32 v18, v19;
	vm2 =	vle.f32 v22, v14;
	vm3 =	vgt.f32 v21, v15  }
0x5a: {  	vm2 =	vmand vm2, vm3;
	vm3 =	vlt.f32 v21, v8  }
0x5b: {  	vm2 =	vmand vm3, vm2;
	vm3 =	vgt.f32 v18, v11  }
0x5c: {  	v19 =	vadd.f32 v21, v8;
	vm2 =	vmand vm3, vm2;
	vm3 =	vlt.f32 v18, v7  }
0x5d: {  	vm2 =	vmand vm3, vm2  }
0x5e: {  	v19 =	vmul.f32 v19, v3;
	v18 =	vadd.f32 v18, v7;
	v22 =	vsel vm2, $0x1, v1  }
0x5f: {  	(xrf0) =	vadd.scan.msk.s32 $0xffff, v22  }
0x60: {  	v20 =	vsub.f32 v20, v4;
	v19 =	vtrunc.f32 v19;
	v18 =	vmul.f32 v18, v5  }
0x61: {  	v19 =	vcvt.f32.s32 v19  }
.Ltmp2:
0x62: {  	v20 =	vmul.f32 v20, v6;
	v18 =	vtrunc.f32 v18;
	(pc) =	sbr.rel @!p0 .LBB2_7-.Ltmp2, $4  }
0x63: {  	vm3 =	vgt.s32 v19, $0x0;
	v21 =	vcvt.f32.s32 v18  }
0x64: {  	v23 =	vnsel vm3, $0x0, v19;
	v19 =	vtrunc.f32 v20  }
0x65: {  	v20 =	vmin.u32 v23, $0xB;
	v19 =	vcvt.f32.s32 v19;
	vm3 =	vgt.s32 v21, $0x0;
	v18, _, _ =	vpop (xrf0)  }
0x66: {  	s30 =	sadd.s32 $0x10, s30;
	v20 =	vmul.u32 $0xC, v20;
	v21 =	vnsel vm3, $0x0, v21;
	v22 =	vsub.s32 v18, v22  }
0x67: {  	v21 =	vmin.u32 v21, $0xB;
	v22 =	vadd.s32 s23, v22  }
0x68: {  	vm3 =	vgt.s32 v19, $0x0;
	v20 =	vadd.s32 v21, v20  }
0x69: {  	v19 =	vnsel vm3, $0x0, v19;
	v20 =	vmul.u32 $0xC, v20  }
0x6a: {  	v19 =	vmin.u32 v19, $0xB  }
0x6b: {  	v19 =	vadd.s32 v19, v20  }
0x6c: {  	v53 =	vor.u32 s29, v2;
	[tilespmem:v22+s15+$0x0] =	vst.idx.msk vm2, v19  }
0x6d: {  	s0 =	sadd.s32 $0x10, s26;
	[tilespmem:v22+s16+$0x0] =	vst.idx.msk vm2, v53  }
0x6e: {  	s12 =	sadd.s32 $0x10, s28;
	v19 =	vld [tilespmem:s0+$0x0]  }
0x6f: {  	v20 =	vld [tilespmem:s12+$0x0];
	_ =	sdelay $0x1  }
0x70: {  	s26 =	sadd.s32 $0x10, s25  }
0x71: {  	v54 =	vld [tilespmem:s26+$0x0];
	_ =	sdelay $0x1  }
0x72: {  	v10 =	vsub.f32 v20, v10;
	v12 =	vsub.f32 v19, v12;
	_ =	sdelay $0x1  }
0x73: {  	v55 =	vmul.f32 v10, v9;
	v16 =	vmul.f32 v12, v16  }
0x74: {  	v17 =	vsub.f32 v54, v17  }
0x75: {  	v10 =	vmul.f32 v10, v13;
	v56 =	vmul.f32 v12, v9;
	v16 =	vadd.f32 v16, v55  }
0x76: {  	v57 =	vand.u32 $0x7FFFFFFF, v17  }
0x77: {  	vm2 =	vle.f32 v57, v14;
	v9 =	vadd.f32 v56, v10;
	vm3 =	vgt.f32 v16, v15  }
0x78: {  	vm2 =	vmand vm2, vm3;
	vm3 =	vlt.f32 v16, v8  }
0x79: {  	vm2 =	vmand vm3, vm2;
	vm3 =	vgt.f32 v9, v11  }
0x7a: {  	vm2 =	vmand vm3, vm2;
	vm3 =	vlt.f32 v9, v7  }
0x7b: {  	vm2 =	vmand vm3, vm2  }
0x7c: {  	v58 =	vsel vm2, $0x1, v1  }
0x7d: {  	(xrf0) =	vadd.scan.msk.s32 $0xffff, v58;
	_ =	sdelay $0x4  }
0x7e: {  	(v2sf) =	vpush v18, $0xF  }
0x7f: {  	v60, _, _ =	vpop (xrf0)  }
0x80: {  	(v2sf) =	vpush v60, $0xF;
	_ =	sdelay $0x3  }
0x81: {  	v59 =	vadd.f32 v16, v8;
	_ =	sdelay $0x1  }
0x82: {  	v61 =	vadd.f32 v9, v7;
	v3 =	vmul.f32 v59, v3;
	_ =	sdelay $0x1  }
0x83: {  	v4 =	vsub.f32 v54, v4;
	v5 =	vmul.f32 v61, v5;
	v3 =	vtrunc.f32 v3  }
0x84: {  	v3 =	vcvt.f32.s32 v3  }
0x85: {  	v4 =	vmul.f32 v4, v6;
	v5 =	vtrunc.f32 v5  }
0x86: {  	v5 =	vcvt.f32.s32 v5;
	vm3 =	vgt.s32 v3, $0x0  }
0x87: {  	v4 =	vtrunc.f32 v4;
	v3 =	vnsel vm3, $0x0, v3  }
0x88: {  	s28 =	spop (v2sf);
	v4 =	vcvt.f32.s32 v4;
	vm3 =	vgt.s32 v5, $0x0;
	v3 =	vmin.u32 v3, $0xB  }
0x89: {  	s0 =	sadd.s32 s23, s28;
	v5 =	vnsel vm3, $0x0, v5;
	v3 =	vmul.u32 $0xC, v3;
	v62 =	vsub.s32 v60, v58  }
0x8a: {  	v5 =	vmin.u32 v5, $0xB;
	v6 =	vadd.s32 s0, v62;
	s29 =	spop (v2sf)  }
0x8b: {  	vm3 =	vgt.s32 v4, $0x0;
	v3 =	vadd.s32 v5, v3;
	s5 =	sadd.s32 s0, s29  }
0x8c: {  	v4 =	vnsel vm3, $0x0, v4;
	v3 =	vmul.u32 $0xC, v3;
	s0 =	sadd.s32 $0x7F, s5  }
0x8d: {  	v4 =	vmin.u32 v4, $0xB;
	s30 =	sand.u32 $0x7F, s0  }
0x8e: {  	v3 =	vadd.s32 v4, v3;
	s31 =	sshra.s32 s0, $0x1F;
	p1 =	slt.s32 s0, $0x1;
	p0 =	sne.s32 s30, $0x0  }
0x8f: {  	v63 =	vor.u32 s24, v2;
	[tilespmem:v6+s15+$0x0] =	vst.idx.msk vm2, v3;
	s24 =	sshrl.u32 s31, $0x19;
	p0 =	por !p1, !p0  }
0x90: {  	[tilespmem:v6+s16+$0x0] =	vst.idx.msk vm2, v63;
	s0 =	sadd.s32 s24, s0;
	s24 =	simm.s32 $0x1;
	p0 =	por !p0, !p0  }
0x91: {  	[tilespmem:s5+$0x17BD0] =	vst v1;
	s0 =	sshra.s32 s0, $0x7;
	s24 =	simm.s32 @!p0 $0x0  }
0x92: {  	[tilespmem:s5+$0x17BE0] =	vst v1;
	s24 =	ssub.s32 s0, s24  }
0x93: {  	[tilespmem:s5+$0x17BF0] =	vst v1;
	p0 =	sgt.s32 s24, $0x0  }
.Ltmp3:
0x94: {  	[tilespmem:s5+$0x17C00] =	vst v1;
	(pc) =	sbr.rel @!p0 .LBB2_15-.Ltmp3, $4  }
0x95: {  	[tilespmem:s5+$0x17C10] =	vst v1  }
0x96: {  	[tilespmem:s5+$0x17C20] =	vst v1  }
0x97: {  	[tilespmem:s5+$0x17C30] =	vst v1  }
0x98: {  	[tilespmem:s5+$0x17C40] =	vst v1  }
.Ltmp4:
0x99: {  	(pc) =	sbr.rel .LBB2_10-.Ltmp4, $2  }
0x9a: {  	_ =	sdelay $0x2  }
0x9b: {  	s25 =	simm.s32 $0x0;
	s26 =	simm.s32 $0x13AD0;
	s23 =	smov.u32 s5  }
.LBB2_13:
0x9c: {  	[tilespmem:s0+$0x13400] =	vst v3  }
.LBB2_14:
0x9d: {  	s25 =	sadd.s32 $0x1, s25  }
0x9e: {  	p0 =	sne.s32 s25, s24  }
.Ltmp5:
0x9f: {  	_ = 	snop;
	(pc) =	sbr.rel @!p0 .LBB2_15-.Ltmp5, $2  }
0xa0: {  	_ =	sdelay $0x2  }
0xa1: {  	s23 =	sadd.s32 $0xFFFFFF80, s23;
	s26 =	sadd.s32 $0x80, s26  }
.LBB2_10:
0xa2: {  	s0 =	sshll.u32 s25, $0x7  }
0xa3: {  	s30 =	sadd.s32 $0x17BD0, s0;
	s0 =	ssub.s32 s5, s0  }
0xa4: {  	p0 =	slt.s32 s0, $0x1  }
.Ltmp6:
0xa5: {  	s29 =	simm.s32 $0x1BCD0;
	(pc) =	sbr.rel @p0 .LBB2_14-.Ltmp6, $4  }
0xa6: {  	[tilespmem:s29], [sflag:$0x1] =	stream.indirect.gather [hbm4b:s8+s18], $0x10, s30, s18, $0xb8;
	[tilespmem:$0x1C4D0] =	vst v63  }
0xa7: {  	_ =	swait.ge [sflag:s17], $0x800  }
0xa8: {  	[sflag:s17] =	ssyncset.done $0x0  }
0xa9: {  	[sflag:s17] =	ssyncadd.s32 $0xFFFFF800  }
0xaa: {  	v3 =	vld [tilespmem:s26+$0x0];
	_ =	sdelay $0x4  }
0xab: {  	(v2sf) =	vpush v3, $0x0;
	_ =	sdelay $0xe  }
0xac: {  	s0 =	spop (v2sf)  }
0xad: {  	v3 =	vld [tilespmem:s0+$0x13400];
	_ =	sdelay $0x4  }
0xae: {  	(v2sf) =	vpush v3, $0x0;
	_ =	sdelay $0xa  }
0xaf: {  	s30 =	sshll.u32 s0, $0x6  }
0xb0: {  	v4 =	vld [tilespmem:s29+$0x0];
	p0 =	sgt.s32 s23, $0x1;
	s28 =	smov.u32 s23;
	s31 =	sshra.s32 s30, $0x2  }
0xb1: {  	s28 =	simm.s32 @!p0 $0x1;
	v5 =	vld [tilespmem:s31+$0xC800]  }
0xb2: {  	s28 =	smin.u32 s28, $0x80  }
0xb3: {  	p0 =	sne.s32 s28, $0x1;
	s30 =	spop (v2sf)  }
.Ltmp7:
0xb4: {  	vm2 =	vmmov vm0;
	p1 =	slt.s32 s30, $0x3F;
	(pc) =	sbr.rel @!p0 .LBB2_13-.Ltmp7, $4  }
0xb5: {  	vm2 =	vmneg @p1 vm2  }
0xb6: {  	v4 =	vmax.f32 v5, v4;
	vm2 =	vmand vm2, vm1  }
0xb7: {  	v4 =	vpsel p1, v4, v5;
	v5 =	vsel vm2, $0x1, v1  }
0xb8: {  	s30 =	sadd.s32 $0xFFFFFFFF, s28;
	[tilespmem:s31+$0xC800] =	vst v4;
	s31 =	smov.u32 s26;
	v3 =	vadd.s32 v5, v3  }
.LBB2_12:
0xb9: {  	p0 =	sne.s32 s30, $0x1;
	[tilespmem:s0+$0x13400] =	vst v3;
	s29 =	sadd.s32 $0x10, s29;
	s31 =	sadd.s32 $0x1, s31  }
0xba: {  	s30 =	sadd.s32 $0xFFFFFFFF, s30;
	v3 =	vld [tilespmem:s31+$0x0];
	_ =	sdelay $0x4  }
0xbb: {  	(v2sf) =	vpush v3, $0x0;
	_ =	sdelay $0xe  }
0xbc: {  	s0 =	spop (v2sf)  }
0xbd: {  	v3 =	vld [tilespmem:s0+$0x13400];
	s28 =	sshll.u32 s0, $0x6;
	_ =	sdelay $0x4  }
0xbe: {  	(v2sf) =	vpush v3, $0x0;
	_ =	sdelay $0x9  }
0xbf: {  	s28 =	sshra.s32 s28, $0x2;
	v4 =	vld [tilespmem:s29+$0x0]  }
0xc0: {  	v5 =	vld [tilespmem:s28+$0xC800];
	_ =	sdelay $0x3  }
0xc1: {  	s12 =	spop (v2sf)  }
.Ltmp8:
0xc2: {  	vm2 =	vmmov vm0;
	p1 =	slt.s32 s12, $0x3F;
	v4 =	vmax.f32 v5, v4;
	(pc) =	sbr.rel @p0 .LBB2_12-.Ltmp8, $4  }
0xc3: {  	v4 =	vpsel p1, v4, v5;
	vm2 =	vmneg @p1 vm2  }
0xc4: {  	[tilespmem:s28+$0xC800] =	vst v4;
	vm2 =	vmand vm2, vm1  }
0xc5: {  	v4 =	vsel vm2, $0x1, v1  }
0xc6: {  	v3 =	vadd.s32 v4, v3  }
.Ltmp9:
0xc7: {  	_ = 	snop;
	(pc) =	sbr.rel .LBB2_13-.Ltmp9, $1  }
0xc8: {  	_ =	sdelay $0x3  }
.LBB2_15:
0xc9: {  	s0 =	simm.s32 $0x0;
	s23 =	simm.s32 $0x40  }
.LBB2_16:
0xca: {  	p0 =	sne.s32 s23, $0x1AFC0;
	v3 =	vld [tilespmem:s0+$0xC800];
	_ =	sdelay $0x2  }
.Ltmp10:
0xcb: {  	(pc) =	sbr.rel @p0 .LBB2_16-.Ltmp10, $4  }
0xcc: {  	_ = 	snop  }
0xcd: {  	vm2 =	veq.f32 v3, $-Inf  }
0xce: {  	v3 =	vsel vm2, $0x0, v3  }
0xcf: {  	[tilespmem:s0+$0xC800] =	vst v3;
	s0 =	sshra.s32 s23, $0x2;
	s23 =	sadd.s32 $0x40, s23  }
0xd0: {  	v3 =	vld [tilespmem:s0+$0xC800];
	_ =	sdelay $0x4  }
0xd1: {  	s5 =	smul.u32 $0xD80, s22;
	s21 =	sadd.s32 $0x1, s21;
	vm2 =	veq.f32 v3, $-Inf  }
0xd2: {  	p0 =	sne.s32 s21, $0x4;
	v3 =	vsel vm2, $0x0, v3  }
.Ltmp11:
0xd3: {  	s31 =	sadd.s32 s1, s5;
	[tilespmem:s0+$0xC800] =	vst v3;
	(pc) =	sbr.rel @p0 .LBB2_2-.Ltmp11, $4  }
0xd4: {  	[hbm4b:s31+s2] =	stream.linear.scatter [tilespmem:s19], [sflag:$0x2], $0x6C00, $0x38;
	[tilespmem:$0x1C4D0] =	vst v63  }
0xd5: {  	_ =	swait.ge [sflag:s11], $0x6C00  }
0xd6: {  	[sflag:s11] =	ssyncset.done $0x0  }
0xd7: {  	[sflag:s11] =	ssyncadd.s32 $0xFFFF9400  }
0xd8: {  	s20 =	sadd.s32 $0x1, s20  }
0xd9: {  	p0 =	sne.s32 s20, s10  }
.Ltmp12:
0xda: {  	_ = 	snop;
	(pc) =	sbr.rel @p0 .LBB2_1-.Ltmp12, $1  }
0xdb: {  	_ =	sdelay $0x3  }
0xdc: {  	_ =	sfence.sel $0x180000  }
0xdd: {  	[bflag:$0x0] =	sbarrier.arrive $0xFFFF  }
0xde: {  	_ =	strace $0x90000047  }
0xdf: {  	s0 =	stileid.u32;
	[bflag:$0x2] =	sbarrier.arrive $0xFFFF  }
0xe0: {  	p0 =	sne.s32 s0, $0x0;
	s0 =	rddreg [dreg:$0x2]  }
0xe1: {  	s0 =	sadd.s32 @!p0 $0x100000, s0  }
0xe2: {  	[sflag:s0] =	ssyncadd.tile.s32 @!p0 $0x1;
	_ =	shalt  }
.Lfunc_end2:
_tile_overlayer_lowered:
.L_overlay_start_2:
0xe3: {  	(tag) =	ssettag $0x2  }
0xe4: {  	s0 =	rddreg [dreg:$0x0];
	s2 =	stileid.u32  }
0xe5: {  	s1 =	rddreg [dreg:$0x1];
	p0 =	sne.s32 s2, $0x0  }
0xe6: {  	s3 =	rddreg [dreg:$0x2];
	[bflag:$0x3] =	sbarrier.arrive $0xFFFF;
	s2 =	simm.s32 @!p0 $0x1C02  }
0xe7: {  	[timem:s3], [sflag:s2] =	dma.local @!p0 [hbm:s0], s1  }
0xe8: {  	s0 =	simm.s32 @!p0 $0x2  }
0xe9: {  	_ =	swait.ge @!p0 [sflag:s0], s1  }
0xea: {  	s1 =	ssub.s32 @!p0 $0x0, s1;
	[sflag:s0] =	ssyncset.done @!p0 $0x0  }
0xeb: {  	[sflag:s0] =	ssyncadd.s32 @!p0 s1  }
0xec: {  	[bflag:$0x3] =	sbarrier.arrive $0xFFFF  }
0xed: {  	_ =	shalt  }

</sc_bundles>
